<compile_context>
chip_gen: v7x
topology: tpu7x:2x2x1
jax: 0.10.2.dev20260603
libtpu: 0.0.44.dev20260713+nightly
codegen_flags: <defaults>
</compile_context>

<pallas_src>
import functools

import jax
import jax.numpy as jnp
from jax import lax
from jax.experimental import pallas as pl
from jax.experimental.pallas import tpu as pltpu
from jax.experimental.pallas import tpu_sc as plsc

B = 16384
K = 64
NC = 2
NS = 16
NW = NC * NS
BPW = B // NW
CH = BPW // 128
L = 16
KC = K // L

_mesh = plsc.VectorSubcoreMesh(core_axis_name="c", subcore_axis_name="s",
                               num_cores=NC, num_subcores=NS)


@functools.partial(
    pl.kernel,
    out_type=jax.ShapeDtypeStruct((B,), jnp.float32),
    mesh=_mesh,
    compiler_params=pltpu.CompilerParams(needs_layout_passes=False,
                                         use_tc_tiling_on_sc=False),
    scratch_types=[
        pltpu.VMEM((3, CH, 128), jnp.int32),
        pltpu.VMEM((BPW, K), jnp.float32),
        pltpu.VMEM((BPW, K), jnp.float32),
        pltpu.VMEM((BPW, K), jnp.float32),
        pltpu.VMEM((L * BPW,), jnp.float32),
        pltpu.VMEM((BPW,), jnp.float32),
        pltpu.SemaphoreType.DMA((CH,)),
    ],
)
def _parafac_sc(idx_hbm, f0_hbm, f1_hbm, f2_hbm, out_hbm,
                idx_v, r0, r1, r2, st, outv, sem):
    wid = lax.axis_index("s") * NC + lax.axis_index("c")

    pltpu.sync_copy(idx_hbm.at[wid], idx_v)

    copies = [[] for _ in range(CH)]
    for t, (tab, r) in enumerate(((f0_hbm, r0), (f1_hbm, r1), (f2_hbm, r2))):
        for j in range(CH):
            copies[j].append(
                pltpu.async_copy(tab.at[idx_v.at[jnp.int32(t), jnp.int32(j)]],
                                 r.at[pl.ds(j * 128, 128)], sem.at[jnp.int32(j)]))

    lane_stride = lax.iota(jnp.int32, L) * BPW

    def row_body(b, carry):
        acc = None
        for c in range(KC):
            g0 = r0[b, pl.ds(c * L, L)]
            g1 = r1[b, pl.ds(c * L, L)]
            g2 = r2[b, pl.ds(c * L, L)]
            p = g0 * g1 * g2
            acc = p if acc is None else acc + p
        plsc.store_scatter(st, [lane_stride + b], acc)
        return carry

    for j in range(CH):
        for cp in copies[j]:
            cp.wait()
        lax.fori_loop(jnp.int32(j * 128), jnp.int32((j + 1) * 128),
                      row_body, jnp.int32(0))

    def red_body(g, carry):
        b0 = g * L
        acc = st[pl.ds(b0, L)]
        for lane in range(1, L):
            acc = acc + st[pl.ds(lane * BPW + b0, L)]
        outv[pl.ds(b0, L)] = acc
        return carry

    lax.fori_loop(jnp.int32(0), jnp.int32(BPW // L), red_body, jnp.int32(0))

    pltpu.sync_copy(outv, out_hbm.at[pl.ds(wid * BPW, BPW)])


def kernel(indices, f0, f1, f2):
    out_dtype = f0.dtype
    idx = indices.astype(jnp.int32).reshape(3, NW, CH, 128).transpose(1, 0, 2, 3)
    out = _parafac_sc(idx,
                      f0.astype(jnp.float32),
                      f1.astype(jnp.float32),
                      f2.astype(jnp.float32))
    return out.astype(out_dtype)

# --- scband reference (transcript-rebuilt; emitter-appended) ---
"""Pipeline reference for scband-parafac-9268539424925 (READ-ONLY COPY).

The authoritative reference and input builder live on the scoring server;
editing this copy changes nothing except your own understanding.
"""

import jax, jax.numpy as jnp
jax.config.update("jax_enable_x64", True)
import numpy as np

DIMS = [100000, 100000, 100000]
K = 64
SCALE = 1.0
BATCH = 16384


def setup_inputs(seed: int = 0) -> dict:
    key = jax.random.key(seed)
    k_idx, k0, k1, k2 = jax.random.split(key, 4)
    indices = jax.random.randint(k_idx, (3, BATCH), 0, DIMS[0], dtype=jnp.int64)
    f0 = SCALE * jax.random.normal(k0, (DIMS[0], K), dtype=jnp.float64)
    f1 = SCALE * jax.random.normal(k1, (DIMS[1], K), dtype=jnp.float64)
    f2 = SCALE * jax.random.normal(k2, (DIMS[2], K), dtype=jnp.float64)
    return {"indices": indices, "f0": f0, "f1": f1, "f2": f2}


def reference(indices, f0, f1, f2):
    # PARAFAC / CP-decomposition evaluation at given index tuples.
    # prod starts as ones(k) and is elementwise-multiplied by the gathered
    # factor rows for each mode (broadcasts to [B, k]); final sum over k.
    factors = (f0, f1, f2)
    prod = jnp.ones((K,), dtype=jnp.float64)
    for i in range(indices.shape[0]):
        idx = indices[i]
        factor = factors[i]
        prod = prod * factor[idx, :]
    # len(indices) == len(factors), so take the full-contraction branch
    return jnp.sum(prod, axis=-1)

if __name__ == "__main__":
    import jax
    _d = setup_inputs()
    print(jax.jit(kernel)(*tuple(_d.values())))

</pallas_src>

<mosaic_0001>
#map = affine_map<(d0, d1) -> (0, 0, 0, 0)>
#map1 = affine_map<(d0, d1) -> (0, 0)>
#map2 = affine_map<(d0, d1) -> (0)>
module attributes {stable_mosaic.version = 14 : i64} {
  func.func @_parafac_sc(%arg0: i32, %arg1: i32, %arg2: memref<32x3x4x128xi32, #tpu.memory_space<hbm>>, %arg3: memref<100000x64xf32, #tpu.memory_space<hbm>>, %arg4: memref<100000x64xf32, #tpu.memory_space<hbm>>, %arg5: memref<100000x64xf32, #tpu.memory_space<hbm>>, %arg6: memref<16384xf32, #tpu.memory_space<hbm>>, %arg7: memref<3x4x128xi32, #tpu.memory_space<vmem>>, %arg8: memref<512x64xf32, #tpu.memory_space<vmem>>, %arg9: memref<512x64xf32, #tpu.memory_space<vmem>>, %arg10: memref<512x64xf32, #tpu.memory_space<vmem>>, %arg11: memref<8192xf32, #tpu.memory_space<vmem>>, %arg12: memref<512xf32, #tpu.memory_space<vmem>>, %arg13: memref<4x!tpu.dma_semaphore, #tpu.memory_space<semaphore_mem>>) attributes {dimension_semantics = [#tpu.dimension_semantics<core_parallel>, #tpu.dimension_semantics<subcore_parallel>], iteration_bounds = array<i64: 2, 16>, scalar_prefetch = 0 : i64, scratch_operands = 7 : i64, tpu.core_type = #tpu.core_type<sc_vector_subcore>, window_params = [{transform_indices = #map}, {transform_indices = #map1}, {transform_indices = #map1}, {transform_indices = #map1}, {transform_indices = #map2}]} {
    %mul3A = arith.constant 2 : i32
    %mul3A_0 = arith.muli %arg1, %mul3A : i32
    %add3A = arith.addi %mul3A_0, %arg0 : i32
    "tpu.region"() ({
      %run_scoped3A = tpu.sem_alloc : memref<!tpu.dma_semaphore, #tpu.memory_space<semaphore_mem>>
      %dma_start3A_394 = arith.constant 0 : i32
      %dma_start3A_395 = arith.constant 0 : i32
      %dma_start3A_396 = arith.constant 0 : i32
      %dma_start3A_397 = tpu.memref_slice %arg2[%add3A, %dma_start3A_394, %dma_start3A_395, %dma_start3A_396] : memref<32x3x4x128xi32, #tpu.memory_space<hbm>> -> memref<1x3x4x128xi32, #tpu.memory_space<hbm>>
      %dma_start3A_398 = tpu.memref_squeeze %dma_start3A_397 : memref<1x3x4x128xi32, #tpu.memory_space<hbm>> -> memref<3x4x128xi32, #tpu.memory_space<hbm>>
      %dma_start3A_399 = arith.constant 0 : i32
      %dma_start3A_400 = arith.constant 0 : i32
      %dma_start3A_401 = arith.constant 0 : i32
      %dma_start3A_402 = tpu.memref_slice %arg2[%add3A, %dma_start3A_399, %dma_start3A_400, %dma_start3A_401] : memref<32x3x4x128xi32, #tpu.memory_space<hbm>> -> memref<1x3x4x128xi32, #tpu.memory_space<hbm>>
      %dma_start3A_403 = tpu.memref_squeeze %dma_start3A_402 : memref<1x3x4x128xi32, #tpu.memory_space<hbm>> -> memref<3x4x128xi32, #tpu.memory_space<hbm>>
      tpu.enqueue_dma source(%dma_start3A_403 : memref<3x4x128xi32, #tpu.memory_space<hbm>>) target(%arg7 : memref<3x4x128xi32, #tpu.memory_space<vmem>>) target_semaphore(%run_scoped3A : memref<!tpu.dma_semaphore, #tpu.memory_space<semaphore_mem>>)
      %dma_wait3A_404 = arith.constant 0 : i32
      %dma_wait3A_405 = arith.constant 0 : i32
      %dma_wait3A_406 = arith.constant 0 : i32
      %dma_wait3A_407 = tpu.memref_slice %arg2[%add3A, %dma_wait3A_404, %dma_wait3A_405, %dma_wait3A_406] : memref<32x3x4x128xi32, #tpu.memory_space<hbm>> -> memref<1x3x4x128xi32, #tpu.memory_space<hbm>>
      %dma_wait3A_408 = tpu.memref_squeeze %dma_wait3A_407 : memref<1x3x4x128xi32, #tpu.memory_space<hbm>> -> memref<3x4x128xi32, #tpu.memory_space<hbm>>
      %dma_wait3A_409 = arith.constant 0 : i32
      %dma_wait3A_410 = arith.constant 0 : i32
      %dma_wait3A_411 = arith.constant 0 : i32
      %dma_wait3A_412 = tpu.memref_slice %arg2[%add3A, %dma_wait3A_409, %dma_wait3A_410, %dma_wait3A_411] : memref<32x3x4x128xi32, #tpu.memory_space<hbm>> -> memref<1x3x4x128xi32, #tpu.memory_space<hbm>>
      %dma_wait3A_413 = tpu.memref_squeeze %dma_wait3A_412 : memref<1x3x4x128xi32, #tpu.memory_space<hbm>> -> memref<3x4x128xi32, #tpu.memory_space<hbm>>
      tpu.wait_dma2 semaphore(%run_scoped3A : memref<!tpu.dma_semaphore, #tpu.memory_space<semaphore_mem>>) src(%dma_wait3A_413 : memref<3x4x128xi32, #tpu.memory_space<hbm>>) dst(%arg7 : memref<3x4x128xi32, #tpu.memory_space<vmem>>)
      tpu.yield
    }) : () -> ()
    %dma_start3A = arith.constant 0 : i32
    %dma_start3A_1 = arith.constant 0 : i32
    %dma_start3A_2 = arith.constant 0 : i32
    %dma_start3A_3 = arith.constant 0 : i32
    %dma_start3A_4 = arith.constant 0 : i32
    %dma_start3A_5 = tpu.memref_slice %arg8[%dma_start3A_3, %dma_start3A_4] : memref<512x64xf32, #tpu.memory_space<vmem>> -> memref<128x64xf32, #tpu.memory_space<vmem>>
    %dma_start3A_6 = arith.constant 0 : i32
    %dma_start3A_7 = tpu.memref_slice %arg7[%dma_start3A, %dma_start3A_1, %dma_start3A_6] : memref<3x4x128xi32, #tpu.memory_space<vmem>> -> memref<1x1x128xi32, #tpu.memory_space<vmem>>
    %dma_start3A_8 = tpu.memref_squeeze %dma_start3A_7 : memref<1x1x128xi32, #tpu.memory_space<vmem>> -> memref<128xi32, #tpu.memory_space<vmem>>
    %dma_start3A_9 = arith.constant 0 : i32
    %dma_start3A_10 = arith.constant 0 : i32
    %dma_start3A_11 = tpu.memref_slice %arg3[%dma_start3A_9, %dma_start3A_10] : memref<100000x64xf32, #tpu.memory_space<hbm>> -> memref<100000x64xf32, #tpu.memory_space<hbm>>
    %dma_start3A_12 = tpu.memref_slice %arg13[%dma_start3A_2] : memref<4x!tpu.dma_semaphore, #tpu.memory_space<semaphore_mem>> -> memref<1x!tpu.dma_semaphore, #tpu.memory_space<semaphore_mem>>
    %dma_start3A_13 = tpu.memref_squeeze %dma_start3A_12 : memref<1x!tpu.dma_semaphore, #tpu.memory_space<semaphore_mem>> -> memref<!tpu.dma_semaphore, #tpu.memory_space<semaphore_mem>>
    tpu.enqueue_indirect_dma source(%dma_start3A_11 : memref<100000x64xf32, #tpu.memory_space<hbm>>) target(%dma_start3A_5 : memref<128x64xf32, #tpu.memory_space<vmem>>) offsets(%dma_start3A_8 : memref<128xi32, #tpu.memory_space<vmem>>) semaphore(%dma_start3A_13 : memref<!tpu.dma_semaphore, #tpu.memory_space<semaphore_mem>>)
    %dma_start3A_14 = arith.constant 0 : i32
    %dma_start3A_15 = arith.constant 1 : i32
    %dma_start3A_16 = arith.constant 1 : i32
    %dma_start3A_17 = arith.constant 128 : i32
    %dma_start3A_18 = arith.constant 0 : i32
    %dma_start3A_19 = tpu.memref_slice %arg8[%dma_start3A_17, %dma_start3A_18] : memref<512x64xf32, #tpu.memory_space<vmem>> -> memref<128x64xf32, #tpu.memory_space<vmem>>
    %dma_start3A_20 = arith.constant 0 : i32
    %dma_start3A_21 = tpu.memref_slice %arg7[%dma_start3A_14, %dma_start3A_15, %dma_start3A_20] : memref<3x4x128xi32, #tpu.memory_space<vmem>> -> memref<1x1x128xi32, #tpu.memory_space<vmem>>
    %dma_start3A_22 = tpu.memref_squeeze %dma_start3A_21 : memref<1x1x128xi32, #tpu.memory_space<vmem>> -> memref<128xi32, #tpu.memory_space<vmem>>
    %dma_start3A_23 = arith.constant 0 : i32
    %dma_start3A_24 = arith.constant 0 : i32
    %dma_start3A_25 = tpu.memref_slice %arg3[%dma_start3A_23, %dma_start3A_24] : memref<100000x64xf32, #tpu.memory_space<hbm>> -> memref<100000x64xf32, #tpu.memory_space<hbm>>
    %dma_start3A_26 = tpu.memref_slice %arg13[%dma_start3A_16] : memref<4x!tpu.dma_semaphore, #tpu.memory_space<semaphore_mem>> -> memref<1x!tpu.dma_semaphore, #tpu.memory_space<semaphore_mem>>
    %dma_start3A_27 = tpu.memref_squeeze %dma_start3A_26 : memref<1x!tpu.dma_semaphore, #tpu.memory_space<semaphore_mem>> -> memref<!tpu.dma_semaphore, #tpu.memory_space<semaphore_mem>>
    tpu.enqueue_indirect_dma source(%dma_start3A_25 : memref<100000x64xf32, #tpu.memory_space<hbm>>) target(%dma_start3A_19 : memref<128x64xf32, #tpu.memory_space<vmem>>) offsets(%dma_start3A_22 : memref<128xi32, #tpu.memory_space<vmem>>) semaphore(%dma_start3A_27 : memref<!tpu.dma_semaphore, #tpu.memory_space<semaphore_mem>>)
    %dma_start3A_28 = arith.constant 0 : i32
    %dma_start3A_29 = arith.constant 2 : i32
    %dma_start3A_30 = arith.constant 2 : i32
    %dma_start3A_31 = arith.constant 256 : i32
    %dma_start3A_32 = arith.constant 0 : i32
    %dma_start3A_33 = tpu.memref_slice %arg8[%dma_start3A_31, %dma_start3A_32] : memref<512x64xf32, #tpu.memory_space<vmem>> -> memref<128x64xf32, #tpu.memory_space<vmem>>
    %dma_start3A_34 = arith.constant 0 : i32
    %dma_start3A_35 = tpu.memref_slice %arg7[%dma_start3A_28, %dma_start3A_29, %dma_start3A_34] : memref<3x4x128xi32, #tpu.memory_space<vmem>> -> memref<1x1x128xi32, #tpu.memory_space<vmem>>
    %dma_start3A_36 = tpu.memref_squeeze %dma_start3A_35 : memref<1x1x128xi32, #tpu.memory_space<vmem>> -> memref<128xi32, #tpu.memory_space<vmem>>
    %dma_start3A_37 = arith.constant 0 : i32
    %dma_start3A_38 = arith.constant 0 : i32
    %dma_start3A_39 = tpu.memref_slice %arg3[%dma_start3A_37, %dma_start3A_38] : memref<100000x64xf32, #tpu.memory_space<hbm>> -> memref<100000x64xf32, #tpu.memory_space<hbm>>
    %dma_start3A_40 = tpu.memref_slice %arg13[%dma_start3A_30] : memref<4x!tpu.dma_semaphore, #tpu.memory_space<semaphore_mem>> -> memref<1x!tpu.dma_semaphore, #tpu.memory_space<semaphore_mem>>
    %dma_start3A_41 = tpu.memref_squeeze %dma_start3A_40 : memref<1x!tpu.dma_semaphore, #tpu.memory_space<semaphore_mem>> -> memref<!tpu.dma_semaphore, #tpu.memory_space<semaphore_mem>>
    tpu.enqueue_indirect_dma source(%dma_start3A_39 : memref<100000x64xf32, #tpu.memory_space<hbm>>) target(%dma_start3A_33 : memref<128x64xf32, #tpu.memory_space<vmem>>) offsets(%dma_start3A_36 : memref<128xi32, #tpu.memory_space<vmem>>) semaphore(%dma_start3A_41 : memref<!tpu.dma_semaphore, #tpu.memory_space<semaphore_mem>>)
    %dma_start3A_42 = arith.constant 0 : i32
    %dma_start3A_43 = arith.constant 3 : i32
    %dma_start3A_44 = arith.constant 3 : i32
    %dma_start3A_45 = arith.constant 384 : i32
    %dma_start3A_46 = arith.constant 0 : i32
    %dma_start3A_47 = tpu.memref_slice %arg8[%dma_start3A_45, %dma_start3A_46] : memref<512x64xf32, #tpu.memory_space<vmem>> -> memref<128x64xf32, #tpu.memory_space<vmem>>
    %dma_start3A_48 = arith.constant 0 : i32
    %dma_start3A_49 = tpu.memref_slice %arg7[%dma_start3A_42, %dma_start3A_43, %dma_start3A_48] : memref<3x4x128xi32, #tpu.memory_space<vmem>> -> memref<1x1x128xi32, #tpu.memory_space<vmem>>
    %dma_start3A_50 = tpu.memref_squeeze %dma_start3A_49 : memref<1x1x128xi32, #tpu.memory_space<vmem>> -> memref<128xi32, #tpu.memory_space<vmem>>
    %dma_start3A_51 = arith.constant 0 : i32
    %dma_start3A_52 = arith.constant 0 : i32
    %dma_start3A_53 = tpu.memref_slice %arg3[%dma_start3A_51, %dma_start3A_52] : memref<100000x64xf32, #tpu.memory_space<hbm>> -> memref<100000x64xf32, #tpu.memory_space<hbm>>
    %dma_start3A_54 = tpu.memref_slice %arg13[%dma_start3A_44] : memref<4x!tpu.dma_semaphore, #tpu.memory_space<semaphore_mem>> -> memref<1x!tpu.dma_semaphore, #tpu.memory_space<semaphore_mem>>
    %dma_start3A_55 = tpu.memref_squeeze %dma_start3A_54 : memref<1x!tpu.dma_semaphore, #tpu.memory_space<semaphore_mem>> -> memref<!tpu.dma_semaphore, #tpu.memory_space<semaphore_mem>>
    tpu.enqueue_indirect_dma source(%dma_start3A_53 : memref<100000x64xf32, #tpu.memory_space<hbm>>) target(%dma_start3A_47 : memref<128x64xf32, #tpu.memory_space<vmem>>) offsets(%dma_start3A_50 : memref<128xi32, #tpu.memory_space<vmem>>) semaphore(%dma_start3A_55 : memref<!tpu.dma_semaphore, #tpu.memory_space<semaphore_mem>>)
    %dma_start3A_56 = arith.constant 1 : i32
    %dma_start3A_57 = arith.constant 0 : i32
    %dma_start3A_58 = arith.constant 0 : i32
    %dma_start3A_59 = arith.constant 0 : i32
    %dma_start3A_60 = arith.constant 0 : i32
    %dma_start3A_61 = tpu.memref_slice %arg9[%dma_start3A_59, %dma_start3A_60] : memref<512x64xf32, #tpu.memory_space<vmem>> -> memref<128x64xf32, #tpu.memory_space<vmem>>
    %dma_start3A_62 = arith.constant 0 : i32
    %dma_start3A_63 = tpu.memref_slice %arg7[%dma_start3A_56, %dma_start3A_57, %dma_start3A_62] : memref<3x4x128xi32, #tpu.memory_space<vmem>> -> memref<1x1x128xi32, #tpu.memory_space<vmem>>
    %dma_start3A_64 = tpu.memref_squeeze %dma_start3A_63 : memref<1x1x128xi32, #tpu.memory_space<vmem>> -> memref<128xi32, #tpu.memory_space<vmem>>
    %dma_start3A_65 = arith.constant 0 : i32
    %dma_start3A_66 = arith.constant 0 : i32
    %dma_start3A_67 = tpu.memref_slice %arg4[%dma_start3A_65, %dma_start3A_66] : memref<100000x64xf32, #tpu.memory_space<hbm>> -> memref<100000x64xf32, #tpu.memory_space<hbm>>
    %dma_start3A_68 = tpu.memref_slice %arg13[%dma_start3A_58] : memref<4x!tpu.dma_semaphore, #tpu.memory_space<semaphore_mem>> -> memref<1x!tpu.dma_semaphore, #tpu.memory_space<semaphore_mem>>
    %dma_start3A_69 = tpu.memref_squeeze %dma_start3A_68 : memref<1x!tpu.dma_semaphore, #tpu.memory_space<semaphore_mem>> -> memref<!tpu.dma_semaphore, #tpu.memory_space<semaphore_mem>>
    tpu.enqueue_indirect_dma source(%dma_start3A_67 : memref<100000x64xf32, #tpu.memory_space<hbm>>) target(%dma_start3A_61 : memref<128x64xf32, #tpu.memory_space<vmem>>) offsets(%dma_start3A_64 : memref<128xi32, #tpu.memory_space<vmem>>) semaphore(%dma_start3A_69 : memref<!tpu.dma_semaphore, #tpu.memory_space<semaphore_mem>>)
    %dma_start3A_70 = arith.constant 1 : i32
    %dma_start3A_71 = arith.constant 1 : i32
    %dma_start3A_72 = arith.constant 1 : i32
    %dma_start3A_73 = arith.constant 128 : i32
    %dma_start3A_74 = arith.constant 0 : i32
    %dma_start3A_75 = tpu.memref_slice %arg9[%dma_start3A_73, %dma_start3A_74] : memref<512x64xf32, #tpu.memory_space<vmem>> -> memref<128x64xf32, #tpu.memory_space<vmem>>
    %dma_start3A_76 = arith.constant 0 : i32
    %dma_start3A_77 = tpu.memref_slice %arg7[%dma_start3A_70, %dma_start3A_71, %dma_start3A_76] : memref<3x4x128xi32, #tpu.memory_space<vmem>> -> memref<1x1x128xi32, #tpu.memory_space<vmem>>
    %dma_start3A_78 = tpu.memref_squeeze %dma_start3A_77 : memref<1x1x128xi32, #tpu.memory_space<vmem>> -> memref<128xi32, #tpu.memory_space<vmem>>
    %dma_start3A_79 = arith.constant 0 : i32
    %dma_start3A_80 = arith.constant 0 : i32
    %dma_start3A_81 = tpu.memref_slice %arg4[%dma_start3A_79, %dma_start3A_80] : memref<100000x64xf32, #tpu.memory_space<hbm>> -> memref<100000x64xf32, #tpu.memory_space<hbm>>
    %dma_start3A_82 = tpu.memref_slice %arg13[%dma_start3A_72] : memref<4x!tpu.dma_semaphore, #tpu.memory_space<semaphore_mem>> -> memref<1x!tpu.dma_semaphore, #tpu.memory_space<semaphore_mem>>
    %dma_start3A_83 = tpu.memref_squeeze %dma_start3A_82 : memref<1x!tpu.dma_semaphore, #tpu.memory_space<semaphore_mem>> -> memref<!tpu.dma_semaphore, #tpu.memory_space<semaphore_mem>>
    tpu.enqueue_indirect_dma source(%dma_start3A_81 : memref<100000x64xf32, #tpu.memory_space<hbm>>) target(%dma_start3A_75 : memref<128x64xf32, #tpu.memory_space<vmem>>) offsets(%dma_start3A_78 : memref<128xi32, #tpu.memory_space<vmem>>) semaphore(%dma_start3A_83 : memref<!tpu.dma_semaphore, #tpu.memory_space<semaphore_mem>>)
    %dma_start3A_84 = arith.constant 1 : i32
    %dma_start3A_85 = arith.constant 2 : i32
    %dma_start3A_86 = arith.constant 2 : i32
    %dma_start3A_87 = arith.constant 256 : i32
    %dma_start3A_88 = arith.constant 0 : i32
    %dma_start3A_89 = tpu.memref_slice %arg9[%dma_start3A_87, %dma_start3A_88] : memref<512x64xf32, #tpu.memory_space<vmem>> -> memref<128x64xf32, #tpu.memory_space<vmem>>
    %dma_start3A_90 = arith.constant 0 : i32
    %dma_start3A_91 = tpu.memref_slice %arg7[%dma_start3A_84, %dma_start3A_85, %dma_start3A_90] : memref<3x4x128xi32, #tpu.memory_space<vmem>> -> memref<1x1x128xi32, #tpu.memory_space<vmem>>
    %dma_start3A_92 = tpu.memref_squeeze %dma_start3A_91 : memref<1x1x128xi32, #tpu.memory_space<vmem>> -> memref<128xi32, #tpu.memory_space<vmem>>
    %dma_start3A_93 = arith.constant 0 : i32
    %dma_start3A_94 = arith.constant 0 : i32
    %dma_start3A_95 = tpu.memref_slice %arg4[%dma_start3A_93, %dma_start3A_94] : memref<100000x64xf32, #tpu.memory_space<hbm>> -> memref<100000x64xf32, #tpu.memory_space<hbm>>
    %dma_start3A_96 = tpu.memref_slice %arg13[%dma_start3A_86] : memref<4x!tpu.dma_semaphore, #tpu.memory_space<semaphore_mem>> -> memref<1x!tpu.dma_semaphore, #tpu.memory_space<semaphore_mem>>
    %dma_start3A_97 = tpu.memref_squeeze %dma_start3A_96 : memref<1x!tpu.dma_semaphore, #tpu.memory_space<semaphore_mem>> -> memref<!tpu.dma_semaphore, #tpu.memory_space<semaphore_mem>>
    tpu.enqueue_indirect_dma source(%dma_start3A_95 : memref<100000x64xf32, #tpu.memory_space<hbm>>) target(%dma_start3A_89 : memref<128x64xf32, #tpu.memory_space<vmem>>) offsets(%dma_start3A_92 : memref<128xi32, #tpu.memory_space<vmem>>) semaphore(%dma_start3A_97 : memref<!tpu.dma_semaphore, #tpu.memory_space<semaphore_mem>>)
    %dma_start3A_98 = arith.constant 1 : i32
    %dma_start3A_99 = arith.constant 3 : i32
    %dma_start3A_100 = arith.constant 3 : i32
    %dma_start3A_101 = arith.constant 384 : i32
    %dma_start3A_102 = arith.constant 0 : i32
    %dma_start3A_103 = tpu.memref_slice %arg9[%dma_start3A_101, %dma_start3A_102] : memref<512x64xf32, #tpu.memory_space<vmem>> -> memref<128x64xf32, #tpu.memory_space<vmem>>
    %dma_start3A_104 = arith.constant 0 : i32
    %dma_start3A_105 = tpu.memref_slice %arg7[%dma_start3A_98, %dma_start3A_99, %dma_start3A_104] : memref<3x4x128xi32, #tpu.memory_space<vmem>> -> memref<1x1x128xi32, #tpu.memory_space<vmem>>
    %dma_start3A_106 = tpu.memref_squeeze %dma_start3A_105 : memref<1x1x128xi32, #tpu.memory_space<vmem>> -> memref<128xi32, #tpu.memory_space<vmem>>
    %dma_start3A_107 = arith.constant 0 : i32
    %dma_start3A_108 = arith.constant 0 : i32
    %dma_start3A_109 = tpu.memref_slice %arg4[%dma_start3A_107, %dma_start3A_108] : memref<100000x64xf32, #tpu.memory_space<hbm>> -> memref<100000x64xf32, #tpu.memory_space<hbm>>
    %dma_start3A_110 = tpu.memref_slice %arg13[%dma_start3A_100] : memref<4x!tpu.dma_semaphore, #tpu.memory_space<semaphore_mem>> -> memref<1x!tpu.dma_semaphore, #tpu.memory_space<semaphore_mem>>
    %dma_start3A_111 = tpu.memref_squeeze %dma_start3A_110 : memref<1x!tpu.dma_semaphore, #tpu.memory_space<semaphore_mem>> -> memref<!tpu.dma_semaphore, #tpu.memory_space<semaphore_mem>>
    tpu.enqueue_indirect_dma source(%dma_start3A_109 : memref<100000x64xf32, #tpu.memory_space<hbm>>) target(%dma_start3A_103 : memref<128x64xf32, #tpu.memory_space<vmem>>) offsets(%dma_start3A_106 : memref<128xi32, #tpu.memory_space<vmem>>) semaphore(%dma_start3A_111 : memref<!tpu.dma_semaphore, #tpu.memory_space<semaphore_mem>>)
    %dma_start3A_112 = arith.constant 2 : i32
    %dma_start3A_113 = arith.constant 0 : i32
    %dma_start3A_114 = arith.constant 0 : i32
    %dma_start3A_115 = arith.constant 0 : i32
    %dma_start3A_116 = arith.constant 0 : i32
    %dma_start3A_117 = tpu.memref_slice %arg10[%dma_start3A_115, %dma_start3A_116] : memref<512x64xf32, #tpu.memory_space<vmem>> -> memref<128x64xf32, #tpu.memory_space<vmem>>
    %dma_start3A_118 = arith.constant 0 : i32
    %dma_start3A_119 = tpu.memref_slice %arg7[%dma_start3A_112, %dma_start3A_113, %dma_start3A_118] : memref<3x4x128xi32, #tpu.memory_space<vmem>> -> memref<1x1x128xi32, #tpu.memory_space<vmem>>
    %dma_start3A_120 = tpu.memref_squeeze %dma_start3A_119 : memref<1x1x128xi32, #tpu.memory_space<vmem>> -> memref<128xi32, #tpu.memory_space<vmem>>
    %dma_start3A_121 = arith.constant 0 : i32
    %dma_start3A_122 = arith.constant 0 : i32
    %dma_start3A_123 = tpu.memref_slice %arg5[%dma_start3A_121, %dma_start3A_122] : memref<100000x64xf32, #tpu.memory_space<hbm>> -> memref<100000x64xf32, #tpu.memory_space<hbm>>
    %dma_start3A_124 = tpu.memref_slice %arg13[%dma_start3A_114] : memref<4x!tpu.dma_semaphore, #tpu.memory_space<semaphore_mem>> -> memref<1x!tpu.dma_semaphore, #tpu.memory_space<semaphore_mem>>
    %dma_start3A_125 = tpu.memref_squeeze %dma_start3A_124 : memref<1x!tpu.dma_semaphore, #tpu.memory_space<semaphore_mem>> -> memref<!tpu.dma_semaphore, #tpu.memory_space<semaphore_mem>>
    tpu.enqueue_indirect_dma source(%dma_start3A_123 : memref<100000x64xf32, #tpu.memory_space<hbm>>) target(%dma_start3A_117 : memref<128x64xf32, #tpu.memory_space<vmem>>) offsets(%dma_start3A_120 : memref<128xi32, #tpu.memory_space<vmem>>) semaphore(%dma_start3A_125 : memref<!tpu.dma_semaphore, #tpu.memory_space<semaphore_mem>>)
    %dma_start3A_126 = arith.constant 2 : i32
    %dma_start3A_127 = arith.constant 1 : i32
    %dma_start3A_128 = arith.constant 1 : i32
    %dma_start3A_129 = arith.constant 128 : i32
    %dma_start3A_130 = arith.constant 0 : i32
    %dma_start3A_131 = tpu.memref_slice %arg10[%dma_start3A_129, %dma_start3A_130] : memref<512x64xf32, #tpu.memory_space<vmem>> -> memref<128x64xf32, #tpu.memory_space<vmem>>
    %dma_start3A_132 = arith.constant 0 : i32
    %dma_start3A_133 = tpu.memref_slice %arg7[%dma_start3A_126, %dma_start3A_127, %dma_start3A_132] : memref<3x4x128xi32, #tpu.memory_space<vmem>> -> memref<1x1x128xi32, #tpu.memory_space<vmem>>
    %dma_start3A_134 = tpu.memref_squeeze %dma_start3A_133 : memref<1x1x128xi32, #tpu.memory_space<vmem>> -> memref<128xi32, #tpu.memory_space<vmem>>
    %dma_start3A_135 = arith.constant 0 : i32
    %dma_start3A_136 = arith.constant 0 : i32
    %dma_start3A_137 = tpu.memref_slice %arg5[%dma_start3A_135, %dma_start3A_136] : memref<100000x64xf32, #tpu.memory_space<hbm>> -> memref<100000x64xf32, #tpu.memory_space<hbm>>
    %dma_start3A_138 = tpu.memref_slice %arg13[%dma_start3A_128] : memref<4x!tpu.dma_semaphore, #tpu.memory_space<semaphore_mem>> -> memref<1x!tpu.dma_semaphore, #tpu.memory_space<semaphore_mem>>
    %dma_start3A_139 = tpu.memref_squeeze %dma_start3A_138 : memref<1x!tpu.dma_semaphore, #tpu.memory_space<semaphore_mem>> -> memref<!tpu.dma_semaphore, #tpu.memory_space<semaphore_mem>>
    tpu.enqueue_indirect_dma source(%dma_start3A_137 : memref<100000x64xf32, #tpu.memory_space<hbm>>) target(%dma_start3A_131 : memref<128x64xf32, #tpu.memory_space<vmem>>) offsets(%dma_start3A_134 : memref<128xi32, #tpu.memory_space<vmem>>) semaphore(%dma_start3A_139 : memref<!tpu.dma_semaphore, #tpu.memory_space<semaphore_mem>>)
    %dma_start3A_140 = arith.constant 2 : i32
    %dma_start3A_141 = arith.constant 2 : i32
    %dma_start3A_142 = arith.constant 2 : i32
    %dma_start3A_143 = arith.constant 256 : i32
    %dma_start3A_144 = arith.constant 0 : i32
    %dma_start3A_145 = tpu.memref_slice %arg10[%dma_start3A_143, %dma_start3A_144] : memref<512x64xf32, #tpu.memory_space<vmem>> -> memref<128x64xf32, #tpu.memory_space<vmem>>
    %dma_start3A_146 = arith.constant 0 : i32
    %dma_start3A_147 = tpu.memref_slice %arg7[%dma_start3A_140, %dma_start3A_141, %dma_start3A_146] : memref<3x4x128xi32, #tpu.memory_space<vmem>> -> memref<1x1x128xi32, #tpu.memory_space<vmem>>
    %dma_start3A_148 = tpu.memref_squeeze %dma_start3A_147 : memref<1x1x128xi32, #tpu.memory_space<vmem>> -> memref<128xi32, #tpu.memory_space<vmem>>
    %dma_start3A_149 = arith.constant 0 : i32
    %dma_start3A_150 = arith.constant 0 : i32
    %dma_start3A_151 = tpu.memref_slice %arg5[%dma_start3A_149, %dma_start3A_150] : memref<100000x64xf32, #tpu.memory_space<hbm>> -> memref<100000x64xf32, #tpu.memory_space<hbm>>
    %dma_start3A_152 = tpu.memref_slice %arg13[%dma_start3A_142] : memref<4x!tpu.dma_semaphore, #tpu.memory_space<semaphore_mem>> -> memref<1x!tpu.dma_semaphore, #tpu.memory_space<semaphore_mem>>
    %dma_start3A_153 = tpu.memref_squeeze %dma_start3A_152 : memref<1x!tpu.dma_semaphore, #tpu.memory_space<semaphore_mem>> -> memref<!tpu.dma_semaphore, #tpu.memory_space<semaphore_mem>>
    tpu.enqueue_indirect_dma source(%dma_start3A_151 : memref<100000x64xf32, #tpu.memory_space<hbm>>) target(%dma_start3A_145 : memref<128x64xf32, #tpu.memory_space<vmem>>) offsets(%dma_start3A_148 : memref<128xi32, #tpu.memory_space<vmem>>) semaphore(%dma_start3A_153 : memref<!tpu.dma_semaphore, #tpu.memory_space<semaphore_mem>>)
    %dma_start3A_154 = arith.constant 2 : i32
    %dma_start3A_155 = arith.constant 3 : i32
    %dma_start3A_156 = arith.constant 3 : i32
    %dma_start3A_157 = arith.constant 384 : i32
    %dma_start3A_158 = arith.constant 0 : i32
    %dma_start3A_159 = tpu.memref_slice %arg10[%dma_start3A_157, %dma_start3A_158] : memref<512x64xf32, #tpu.memory_space<vmem>> -> memref<128x64xf32, #tpu.memory_space<vmem>>
    %dma_start3A_160 = arith.constant 0 : i32
    %dma_start3A_161 = tpu.memref_slice %arg7[%dma_start3A_154, %dma_start3A_155, %dma_start3A_160] : memref<3x4x128xi32, #tpu.memory_space<vmem>> -> memref<1x1x128xi32, #tpu.memory_space<vmem>>
    %dma_start3A_162 = tpu.memref_squeeze %dma_start3A_161 : memref<1x1x128xi32, #tpu.memory_space<vmem>> -> memref<128xi32, #tpu.memory_space<vmem>>
    %dma_start3A_163 = arith.constant 0 : i32
    %dma_start3A_164 = arith.constant 0 : i32
    %dma_start3A_165 = tpu.memref_slice %arg5[%dma_start3A_163, %dma_start3A_164] : memref<100000x64xf32, #tpu.memory_space<hbm>> -> memref<100000x64xf32, #tpu.memory_space<hbm>>
    %dma_start3A_166 = tpu.memref_slice %arg13[%dma_start3A_156] : memref<4x!tpu.dma_semaphore, #tpu.memory_space<semaphore_mem>> -> memref<1x!tpu.dma_semaphore, #tpu.memory_space<semaphore_mem>>
    %dma_start3A_167 = tpu.memref_squeeze %dma_start3A_166 : memref<1x!tpu.dma_semaphore, #tpu.memory_space<semaphore_mem>> -> memref<!tpu.dma_semaphore, #tpu.memory_space<semaphore_mem>>
    tpu.enqueue_indirect_dma source(%dma_start3A_165 : memref<100000x64xf32, #tpu.memory_space<hbm>>) target(%dma_start3A_159 : memref<128x64xf32, #tpu.memory_space<vmem>>) offsets(%dma_start3A_162 : memref<128xi32, #tpu.memory_space<vmem>>) semaphore(%dma_start3A_167 : memref<!tpu.dma_semaphore, #tpu.memory_space<semaphore_mem>>)
    %iota3A = tpu.iota {dimensions = array<i32: 0>} : vector<16xi32>
    %mul3A_168 = arith.constant 512 : i32
    %mul3A_169 = vector.broadcast %mul3A_168 : i32 to vector<16xi32>
    %mul3A_170 = arith.muli %iota3A, %mul3A_169 : vector<16xi32>
    %dma_wait3A = arith.constant 0 : i32
    %dma_wait3A_171 = arith.constant 0 : i32
    %dma_wait3A_172 = arith.constant 0 : i32
    %dma_wait3A_173 = arith.constant 0 : i32
    %dma_wait3A_174 = arith.constant 0 : i32
    %dma_wait3A_175 = tpu.memref_slice %arg8[%dma_wait3A_173, %dma_wait3A_174] : memref<512x64xf32, #tpu.memory_space<vmem>> -> memref<128x64xf32, #tpu.memory_space<vmem>>
    %dma_wait3A_176 = arith.constant 0 : i32
    %dma_wait3A_177 = tpu.memref_slice %arg7[%dma_wait3A, %dma_wait3A_171, %dma_wait3A_176] : memref<3x4x128xi32, #tpu.memory_space<vmem>> -> memref<1x1x128xi32, #tpu.memory_space<vmem>>
    %dma_wait3A_178 = tpu.memref_squeeze %dma_wait3A_177 : memref<1x1x128xi32, #tpu.memory_space<vmem>> -> memref<128xi32, #tpu.memory_space<vmem>>
    %dma_wait3A_179 = arith.constant 0 : i32
    %dma_wait3A_180 = arith.constant 0 : i32
    %dma_wait3A_181 = tpu.memref_slice %arg3[%dma_wait3A_179, %dma_wait3A_180] : memref<100000x64xf32, #tpu.memory_space<hbm>> -> memref<100000x64xf32, #tpu.memory_space<hbm>>
    %dma_wait3A_182 = tpu.memref_slice %arg13[%dma_wait3A_172] : memref<4x!tpu.dma_semaphore, #tpu.memory_space<semaphore_mem>> -> memref<1x!tpu.dma_semaphore, #tpu.memory_space<semaphore_mem>>
    %dma_wait3A_183 = tpu.memref_squeeze %dma_wait3A_182 : memref<1x!tpu.dma_semaphore, #tpu.memory_space<semaphore_mem>> -> memref<!tpu.dma_semaphore, #tpu.memory_space<semaphore_mem>>
    tpu.wait_indirect_dma semaphore(%dma_wait3A_183 : memref<!tpu.dma_semaphore, #tpu.memory_space<semaphore_mem>>) src(%dma_wait3A_181 : memref<100000x64xf32, #tpu.memory_space<hbm>>) dst(%dma_wait3A_175 : memref<128x64xf32, #tpu.memory_space<vmem>>)
    %dma_wait3A_184 = arith.constant 1 : i32
    %dma_wait3A_185 = arith.constant 0 : i32
    %dma_wait3A_186 = arith.constant 0 : i32
    %dma_wait3A_187 = arith.constant 0 : i32
    %dma_wait3A_188 = arith.constant 0 : i32
    %dma_wait3A_189 = tpu.memref_slice %arg9[%dma_wait3A_187, %dma_wait3A_188] : memref<512x64xf32, #tpu.memory_space<vmem>> -> memref<128x64xf32, #tpu.memory_space<vmem>>
    %dma_wait3A_190 = arith.constant 0 : i32
    %dma_wait3A_191 = tpu.memref_slice %arg7[%dma_wait3A_184, %dma_wait3A_185, %dma_wait3A_190] : memref<3x4x128xi32, #tpu.memory_space<vmem>> -> memref<1x1x128xi32, #tpu.memory_space<vmem>>
    %dma_wait3A_192 = tpu.memref_squeeze %dma_wait3A_191 : memref<1x1x128xi32, #tpu.memory_space<vmem>> -> memref<128xi32, #tpu.memory_space<vmem>>
    %dma_wait3A_193 = arith.constant 0 : i32
    %dma_wait3A_194 = arith.constant 0 : i32
    %dma_wait3A_195 = tpu.memref_slice %arg4[%dma_wait3A_193, %dma_wait3A_194] : memref<100000x64xf32, #tpu.memory_space<hbm>> -> memref<100000x64xf32, #tpu.memory_space<hbm>>
    %dma_wait3A_196 = tpu.memref_slice %arg13[%dma_wait3A_186] : memref<4x!tpu.dma_semaphore, #tpu.memory_space<semaphore_mem>> -> memref<1x!tpu.dma_semaphore, #tpu.memory_space<semaphore_mem>>
    %dma_wait3A_197 = tpu.memref_squeeze %dma_wait3A_196 : memref<1x!tpu.dma_semaphore, #tpu.memory_space<semaphore_mem>> -> memref<!tpu.dma_semaphore, #tpu.memory_space<semaphore_mem>>
    tpu.wait_indirect_dma semaphore(%dma_wait3A_197 : memref<!tpu.dma_semaphore, #tpu.memory_space<semaphore_mem>>) src(%dma_wait3A_195 : memref<100000x64xf32, #tpu.memory_space<hbm>>) dst(%dma_wait3A_189 : memref<128x64xf32, #tpu.memory_space<vmem>>)
    %dma_wait3A_198 = arith.constant 2 : i32
    %dma_wait3A_199 = arith.constant 0 : i32
    %dma_wait3A_200 = arith.constant 0 : i32
    %dma_wait3A_201 = arith.constant 0 : i32
    %dma_wait3A_202 = arith.constant 0 : i32
    %dma_wait3A_203 = tpu.memref_slice %arg10[%dma_wait3A_201, %dma_wait3A_202] : memref<512x64xf32, #tpu.memory_space<vmem>> -> memref<128x64xf32, #tpu.memory_space<vmem>>
    %dma_wait3A_204 = arith.constant 0 : i32
    %dma_wait3A_205 = tpu.memref_slice %arg7[%dma_wait3A_198, %dma_wait3A_199, %dma_wait3A_204] : memref<3x4x128xi32, #tpu.memory_space<vmem>> -> memref<1x1x128xi32, #tpu.memory_space<vmem>>
    %dma_wait3A_206 = tpu.memref_squeeze %dma_wait3A_205 : memref<1x1x128xi32, #tpu.memory_space<vmem>> -> memref<128xi32, #tpu.memory_space<vmem>>
    %dma_wait3A_207 = arith.constant 0 : i32
    %dma_wait3A_208 = arith.constant 0 : i32
    %dma_wait3A_209 = tpu.memref_slice %arg5[%dma_wait3A_207, %dma_wait3A_208] : memref<100000x64xf32, #tpu.memory_space<hbm>> -> memref<100000x64xf32, #tpu.memory_space<hbm>>
    %dma_wait3A_210 = tpu.memref_slice %arg13[%dma_wait3A_200] : memref<4x!tpu.dma_semaphore, #tpu.memory_space<semaphore_mem>> -> memref<1x!tpu.dma_semaphore, #tpu.memory_space<semaphore_mem>>
    %dma_wait3A_211 = tpu.memref_squeeze %dma_wait3A_210 : memref<1x!tpu.dma_semaphore, #tpu.memory_space<semaphore_mem>> -> memref<!tpu.dma_semaphore, #tpu.memory_space<semaphore_mem>>
    tpu.wait_indirect_dma semaphore(%dma_wait3A_211 : memref<!tpu.dma_semaphore, #tpu.memory_space<semaphore_mem>>) src(%dma_wait3A_209 : memref<100000x64xf32, #tpu.memory_space<hbm>>) dst(%dma_wait3A_203 : memref<128x64xf32, #tpu.memory_space<vmem>>)
    %while3A = arith.constant 0 : i32
    %while3A_212 = arith.constant 0 : i32
    %while3A_213 = arith.constant 128 : i32
    %while3A_214 = arith.subi %while3A_213, %while3A_212 : i32
    %while3A_215 = arith.addi %while3A_212, %while3A_214 : i32
    %while3A_216 = arith.constant 1 : i32
    %while3A_217 = arith.divsi %while3A_214, %while3A_216 : i32
    %while3A_218 = arith.muli %while3A_217, %while3A_216 : i32
    %while3A_219 = arith.addi %while3A_212, %while3A_218 : i32
    %while3A_220 = arith.constant 1 : i32
    scf.for %while3A_394 = %while3A_212 to %while3A_219 step %while3A_220  : i32 {
      %get3A = arith.index_cast %while3A_394 : i32 to index
      %get3A_395 = arith.constant 0 : index
      %get3A_396 = tpu.vector_load %arg8[%get3A, %get3A_395] {strides = array<i32>} : memref<512x64xf32, #tpu.memory_space<vmem>>, vector<16xf32>,
      %get3A_397 = arith.index_cast %while3A_394 : i32 to index
      %get3A_398 = arith.constant 0 : index
      %get3A_399 = tpu.vector_load %arg9[%get3A_397, %get3A_398] {strides = array<i32>} : memref<512x64xf32, #tpu.memory_space<vmem>>, vector<16xf32>,
      %get3A_400 = arith.index_cast %while3A_394 : i32 to index
      %get3A_401 = arith.constant 0 : index
      %get3A_402 = tpu.vector_load %arg10[%get3A_400, %get3A_401] {strides = array<i32>} : memref<512x64xf32, #tpu.memory_space<vmem>>, vector<16xf32>,
      %mul3A_403 = arith.mulf %get3A_396, %get3A_399 : vector<16xf32>
      %mul3A_404 = arith.mulf %mul3A_403, %get3A_402 : vector<16xf32>
      %get3A_405 = arith.index_cast %while3A_394 : i32 to index
      %get3A_406 = arith.constant 16 : index
      %get3A_407 = tpu.vector_load %arg8[%get3A_405, %get3A_406] {strides = array<i32>} : memref<512x64xf32, #tpu.memory_space<vmem>>, vector<16xf32>,
      %get3A_408 = arith.index_cast %while3A_394 : i32 to index
      %get3A_409 = arith.constant 16 : index
      %get3A_410 = tpu.vector_load %arg9[%get3A_408, %get3A_409] {strides = array<i32>} : memref<512x64xf32, #tpu.memory_space<vmem>>, vector<16xf32>,
      %get3A_411 = arith.index_cast %while3A_394 : i32 to index
      %get3A_412 = arith.constant 16 : index
      %get3A_413 = tpu.vector_load %arg10[%get3A_411, %get3A_412] {strides = array<i32>} : memref<512x64xf32, #tpu.memory_space<vmem>>, vector<16xf32>,
      %mul3A_414 = arith.mulf %get3A_407, %get3A_410 : vector<16xf32>
      %mul3A_415 = arith.mulf %mul3A_414, %get3A_413 : vector<16xf32>
      %add3A_416 = arith.addf %mul3A_404, %mul3A_415 : vector<16xf32>
      %get3A_417 = arith.index_cast %while3A_394 : i32 to index
      %get3A_418 = arith.constant 32 : index
      %get3A_419 = tpu.vector_load %arg8[%get3A_417, %get3A_418] {strides = array<i32>} : memref<512x64xf32, #tpu.memory_space<vmem>>, vector<16xf32>,
      %get3A_420 = arith.index_cast %while3A_394 : i32 to index
      %get3A_421 = arith.constant 32 : index
      %get3A_422 = tpu.vector_load %arg9[%get3A_420, %get3A_421] {strides = array<i32>} : memref<512x64xf32, #tpu.memory_space<vmem>>, vector<16xf32>,
      %get3A_423 = arith.index_cast %while3A_394 : i32 to index
      %get3A_424 = arith.constant 32 : index
      %get3A_425 = tpu.vector_load %arg10[%get3A_423, %get3A_424] {strides = array<i32>} : memref<512x64xf32, #tpu.memory_space<vmem>>, vector<16xf32>,
      %mul3A_426 = arith.mulf %get3A_419, %get3A_422 : vector<16xf32>
      %mul3A_427 = arith.mulf %mul3A_426, %get3A_425 : vector<16xf32>
      %add3A_428 = arith.addf %add3A_416, %mul3A_427 : vector<16xf32>
      %get3A_429 = arith.index_cast %while3A_394 : i32 to index
      %get3A_430 = arith.constant 48 : index
      %get3A_431 = tpu.vector_load %arg8[%get3A_429, %get3A_430] {strides = array<i32>} : memref<512x64xf32, #tpu.memory_space<vmem>>, vector<16xf32>,
      %get3A_432 = arith.index_cast %while3A_394 : i32 to index
      %get3A_433 = arith.constant 48 : index
      %get3A_434 = tpu.vector_load %arg9[%get3A_432, %get3A_433] {strides = array<i32>} : memref<512x64xf32, #tpu.memory_space<vmem>>, vector<16xf32>,
      %get3A_435 = arith.index_cast %while3A_394 : i32 to index
      %get3A_436 = arith.constant 48 : index
      %get3A_437 = tpu.vector_load %arg10[%get3A_435, %get3A_436] {strides = array<i32>} : memref<512x64xf32, #tpu.memory_space<vmem>>, vector<16xf32>,
      %mul3A_438 = arith.mulf %get3A_431, %get3A_434 : vector<16xf32>
      %mul3A_439 = arith.mulf %mul3A_438, %get3A_437 : vector<16xf32>
      %add3A_440 = arith.addf %add3A_428, %mul3A_439 : vector<16xf32>
      %add3A_441 = vector.broadcast %while3A_394 : i32 to vector<16xi32>
      %add3A_442 = arith.addi %mul3A_170, %add3A_441 : vector<16xi32>
      tpu.vector_store_idx %arg11[%add3A_442], %add3A_440 : memref<8192xf32, #tpu.memory_space<vmem>>[vector<16xi32>], vector<16xf32>,
    }
    %while3A_221 = arith.constant 1 : i32
    scf.for %while3A_394 = %while3A_219 to %while3A_215 step %while3A_221  : i32 {
      %get3A = arith.index_cast %while3A_394 : i32 to index
      %get3A_395 = arith.constant 0 : index
      %get3A_396 = tpu.vector_load %arg8[%get3A, %get3A_395] {strides = array<i32>} : memref<512x64xf32, #tpu.memory_space<vmem>>, vector<16xf32>,
      %get3A_397 = arith.index_cast %while3A_394 : i32 to index
      %get3A_398 = arith.constant 0 : index
      %get3A_399 = tpu.vector_load %arg9[%get3A_397, %get3A_398] {strides = array<i32>} : memref<512x64xf32, #tpu.memory_space<vmem>>, vector<16xf32>,
      %get3A_400 = arith.index_cast %while3A_394 : i32 to index
      %get3A_401 = arith.constant 0 : index
      %get3A_402 = tpu.vector_load %arg10[%get3A_400, %get3A_401] {strides = array<i32>} : memref<512x64xf32, #tpu.memory_space<vmem>>, vector<16xf32>,
      %mul3A_403 = arith.mulf %get3A_396, %get3A_399 : vector<16xf32>
      %mul3A_404 = arith.mulf %mul3A_403, %get3A_402 : vector<16xf32>
      %get3A_405 = arith.index_cast %while3A_394 : i32 to index
      %get3A_406 = arith.constant 16 : index
      %get3A_407 = tpu.vector_load %arg8[%get3A_405, %get3A_406] {strides = array<i32>} : memref<512x64xf32, #tpu.memory_space<vmem>>, vector<16xf32>,
      %get3A_408 = arith.index_cast %while3A_394 : i32 to index
      %get3A_409 = arith.constant 16 : index
      %get3A_410 = tpu.vector_load %arg9[%get3A_408, %get3A_409] {strides = array<i32>} : memref<512x64xf32, #tpu.memory_space<vmem>>, vector<16xf32>,
      %get3A_411 = arith.index_cast %while3A_394 : i32 to index
      %get3A_412 = arith.constant 16 : index
      %get3A_413 = tpu.vector_load %arg10[%get3A_411, %get3A_412] {strides = array<i32>} : memref<512x64xf32, #tpu.memory_space<vmem>>, vector<16xf32>,
      %mul3A_414 = arith.mulf %get3A_407, %get3A_410 : vector<16xf32>
      %mul3A_415 = arith.mulf %mul3A_414, %get3A_413 : vector<16xf32>
      %add3A_416 = arith.addf %mul3A_404, %mul3A_415 : vector<16xf32>
      %get3A_417 = arith.index_cast %while3A_394 : i32 to index
      %get3A_418 = arith.constant 32 : index
      %get3A_419 = tpu.vector_load %arg8[%get3A_417, %get3A_418] {strides = array<i32>} : memref<512x64xf32, #tpu.memory_space<vmem>>, vector<16xf32>,
      %get3A_420 = arith.index_cast %while3A_394 : i32 to index
      %get3A_421 = arith.constant 32 : index
      %get3A_422 = tpu.vector_load %arg9[%get3A_420, %get3A_421] {strides = array<i32>} : memref<512x64xf32, #tpu.memory_space<vmem>>, vector<16xf32>,
      %get3A_423 = arith.index_cast %while3A_394 : i32 to index
      %get3A_424 = arith.constant 32 : index
      %get3A_425 = tpu.vector_load %arg10[%get3A_423, %get3A_424] {strides = array<i32>} : memref<512x64xf32, #tpu.memory_space<vmem>>, vector<16xf32>,
      %mul3A_426 = arith.mulf %get3A_419, %get3A_422 : vector<16xf32>
      %mul3A_427 = arith.mulf %mul3A_426, %get3A_425 : vector<16xf32>
      %add3A_428 = arith.addf %add3A_416, %mul3A_427 : vector<16xf32>
      %get3A_429 = arith.index_cast %while3A_394 : i32 to index
      %get3A_430 = arith.constant 48 : index
      %get3A_431 = tpu.vector_load %arg8[%get3A_429, %get3A_430] {strides = array<i32>} : memref<512x64xf32, #tpu.memory_space<vmem>>, vector<16xf32>,
      %get3A_432 = arith.index_cast %while3A_394 : i32 to index
      %get3A_433 = arith.constant 48 : index
      %get3A_434 = tpu.vector_load %arg9[%get3A_432, %get3A_433] {strides = array<i32>} : memref<512x64xf32, #tpu.memory_space<vmem>>, vector<16xf32>,
      %get3A_435 = arith.index_cast %while3A_394 : i32 to index
      %get3A_436 = arith.constant 48 : index
      %get3A_437 = tpu.vector_load %arg10[%get3A_435, %get3A_436] {strides = array<i32>} : memref<512x64xf32, #tpu.memory_space<vmem>>, vector<16xf32>,
      %mul3A_438 = arith.mulf %get3A_431, %get3A_434 : vector<16xf32>
      %mul3A_439 = arith.mulf %mul3A_438, %get3A_437 : vector<16xf32>
      %add3A_440 = arith.addf %add3A_428, %mul3A_439 : vector<16xf32>
      %add3A_441 = vector.broadcast %while3A_394 : i32 to vector<16xi32>
      %add3A_442 = arith.addi %mul3A_170, %add3A_441 : vector<16xi32>
      tpu.vector_store_idx %arg11[%add3A_442], %add3A_440 : memref<8192xf32, #tpu.memory_space<vmem>>[vector<16xi32>], vector<16xf32>,
    }
    %dma_wait3A_222 = arith.constant 0 : i32
    %dma_wait3A_223 = arith.constant 1 : i32
    %dma_wait3A_224 = arith.constant 1 : i32
    %dma_wait3A_225 = arith.constant 128 : i32
    %dma_wait3A_226 = arith.constant 0 : i32
    %dma_wait3A_227 = tpu.memref_slice %arg8[%dma_wait3A_225, %dma_wait3A_226] : memref<512x64xf32, #tpu.memory_space<vmem>> -> memref<128x64xf32, #tpu.memory_space<vmem>>
    %dma_wait3A_228 = arith.constant 0 : i32
    %dma_wait3A_229 = tpu.memref_slice %arg7[%dma_wait3A_222, %dma_wait3A_223, %dma_wait3A_228] : memref<3x4x128xi32, #tpu.memory_space<vmem>> -> memref<1x1x128xi32, #tpu.memory_space<vmem>>
    %dma_wait3A_230 = tpu.memref_squeeze %dma_wait3A_229 : memref<1x1x128xi32, #tpu.memory_space<vmem>> -> memref<128xi32, #tpu.memory_space<vmem>>
    %dma_wait3A_231 = arith.constant 0 : i32
    %dma_wait3A_232 = arith.constant 0 : i32
    %dma_wait3A_233 = tpu.memref_slice %arg3[%dma_wait3A_231, %dma_wait3A_232] : memref<100000x64xf32, #tpu.memory_space<hbm>> -> memref<100000x64xf32, #tpu.memory_space<hbm>>
    %dma_wait3A_234 = tpu.memref_slice %arg13[%dma_wait3A_224] : memref<4x!tpu.dma_semaphore, #tpu.memory_space<semaphore_mem>> -> memref<1x!tpu.dma_semaphore, #tpu.memory_space<semaphore_mem>>
    %dma_wait3A_235 = tpu.memref_squeeze %dma_wait3A_234 : memref<1x!tpu.dma_semaphore, #tpu.memory_space<semaphore_mem>> -> memref<!tpu.dma_semaphore, #tpu.memory_space<semaphore_mem>>
    tpu.wait_indirect_dma semaphore(%dma_wait3A_235 : memref<!tpu.dma_semaphore, #tpu.memory_space<semaphore_mem>>) src(%dma_wait3A_233 : memref<100000x64xf32, #tpu.memory_space<hbm>>) dst(%dma_wait3A_227 : memref<128x64xf32, #tpu.memory_space<vmem>>)
    %dma_wait3A_236 = arith.constant 1 : i32
    %dma_wait3A_237 = arith.constant 1 : i32
    %dma_wait3A_238 = arith.constant 1 : i32
    %dma_wait3A_239 = arith.constant 128 : i32
    %dma_wait3A_240 = arith.constant 0 : i32
    %dma_wait3A_241 = tpu.memref_slice %arg9[%dma_wait3A_239, %dma_wait3A_240] : memref<512x64xf32, #tpu.memory_space<vmem>> -> memref<128x64xf32, #tpu.memory_space<vmem>>
    %dma_wait3A_242 = arith.constant 0 : i32
    %dma_wait3A_243 = tpu.memref_slice %arg7[%dma_wait3A_236, %dma_wait3A_237, %dma_wait3A_242] : memref<3x4x128xi32, #tpu.memory_space<vmem>> -> memref<1x1x128xi32, #tpu.memory_space<vmem>>
    %dma_wait3A_244 = tpu.memref_squeeze %dma_wait3A_243 : memref<1x1x128xi32, #tpu.memory_space<vmem>> -> memref<128xi32, #tpu.memory_space<vmem>>
    %dma_wait3A_245 = arith.constant 0 : i32
    %dma_wait3A_246 = arith.constant 0 : i32
    %dma_wait3A_247 = tpu.memref_slice %arg4[%dma_wait3A_245, %dma_wait3A_246] : memref<100000x64xf32, #tpu.memory_space<hbm>> -> memref<100000x64xf32, #tpu.memory_space<hbm>>
    %dma_wait3A_248 = tpu.memref_slice %arg13[%dma_wait3A_238] : memref<4x!tpu.dma_semaphore, #tpu.memory_space<semaphore_mem>> -> memref<1x!tpu.dma_semaphore, #tpu.memory_space<semaphore_mem>>
    %dma_wait3A_249 = tpu.memref_squeeze %dma_wait3A_248 : memref<1x!tpu.dma_semaphore, #tpu.memory_space<semaphore_mem>> -> memref<!tpu.dma_semaphore, #tpu.memory_space<semaphore_mem>>
    tpu.wait_indirect_dma semaphore(%dma_wait3A_249 : memref<!tpu.dma_semaphore, #tpu.memory_space<semaphore_mem>>) src(%dma_wait3A_247 : memref<100000x64xf32, #tpu.memory_space<hbm>>) dst(%dma_wait3A_241 : memref<128x64xf32, #tpu.memory_space<vmem>>)
    %dma_wait3A_250 = arith.constant 2 : i32
    %dma_wait3A_251 = arith.constant 1 : i32
    %dma_wait3A_252 = arith.constant 1 : i32
    %dma_wait3A_253 = arith.constant 128 : i32
    %dma_wait3A_254 = arith.constant 0 : i32
    %dma_wait3A_255 = tpu.memref_slice %arg10[%dma_wait3A_253, %dma_wait3A_254] : memref<512x64xf32, #tpu.memory_space<vmem>> -> memref<128x64xf32, #tpu.memory_space<vmem>>
    %dma_wait3A_256 = arith.constant 0 : i32
    %dma_wait3A_257 = tpu.memref_slice %arg7[%dma_wait3A_250, %dma_wait3A_251, %dma_wait3A_256] : memref<3x4x128xi32, #tpu.memory_space<vmem>> -> memref<1x1x128xi32, #tpu.memory_space<vmem>>
    %dma_wait3A_258 = tpu.memref_squeeze %dma_wait3A_257 : memref<1x1x128xi32, #tpu.memory_space<vmem>> -> memref<128xi32, #tpu.memory_space<vmem>>
    %dma_wait3A_259 = arith.constant 0 : i32
    %dma_wait3A_260 = arith.constant 0 : i32
    %dma_wait3A_261 = tpu.memref_slice %arg5[%dma_wait3A_259, %dma_wait3A_260] : memref<100000x64xf32, #tpu.memory_space<hbm>> -> memref<100000x64xf32, #tpu.memory_space<hbm>>
    %dma_wait3A_262 = tpu.memref_slice %arg13[%dma_wait3A_252] : memref<4x!tpu.dma_semaphore, #tpu.memory_space<semaphore_mem>> -> memref<1x!tpu.dma_semaphore, #tpu.memory_space<semaphore_mem>>
    %dma_wait3A_263 = tpu.memref_squeeze %dma_wait3A_262 : memref<1x!tpu.dma_semaphore, #tpu.memory_space<semaphore_mem>> -> memref<!tpu.dma_semaphore, #tpu.memory_space<semaphore_mem>>
    tpu.wait_indirect_dma semaphore(%dma_wait3A_263 : memref<!tpu.dma_semaphore, #tpu.memory_space<semaphore_mem>>) src(%dma_wait3A_261 : memref<100000x64xf32, #tpu.memory_space<hbm>>) dst(%dma_wait3A_255 : memref<128x64xf32, #tpu.memory_space<vmem>>)
    %while3A_264 = arith.constant 0 : i32
    %while3A_265 = arith.constant 128 : i32
    %while3A_266 = arith.constant 256 : i32
    %while3A_267 = arith.subi %while3A_266, %while3A_265 : i32
    %while3A_268 = arith.addi %while3A_265, %while3A_267 : i32
    %while3A_269 = arith.constant 1 : i32
    %while3A_270 = arith.divsi %while3A_267, %while3A_269 : i32
    %while3A_271 = arith.muli %while3A_270, %while3A_269 : i32
    %while3A_272 = arith.addi %while3A_265, %while3A_271 : i32
    %while3A_273 = arith.constant 1 : i32
    scf.for %while3A_394 = %while3A_265 to %while3A_272 step %while3A_273  : i32 {
      %get3A = arith.index_cast %while3A_394 : i32 to index
      %get3A_395 = arith.constant 0 : index
      %get3A_396 = tpu.vector_load %arg8[%get3A, %get3A_395] {strides = array<i32>} : memref<512x64xf32, #tpu.memory_space<vmem>>, vector<16xf32>,
      %get3A_397 = arith.index_cast %while3A_394 : i32 to index
      %get3A_398 = arith.constant 0 : index
      %get3A_399 = tpu.vector_load %arg9[%get3A_397, %get3A_398] {strides = array<i32>} : memref<512x64xf32, #tpu.memory_space<vmem>>, vector<16xf32>,
      %get3A_400 = arith.index_cast %while3A_394 : i32 to index
      %get3A_401 = arith.constant 0 : index
      %get3A_402 = tpu.vector_load %arg10[%get3A_400, %get3A_401] {strides = array<i32>} : memref<512x64xf32, #tpu.memory_space<vmem>>, vector<16xf32>,
      %mul3A_403 = arith.mulf %get3A_396, %get3A_399 : vector<16xf32>
      %mul3A_404 = arith.mulf %mul3A_403, %get3A_402 : vector<16xf32>
      %get3A_405 = arith.index_cast %while3A_394 : i32 to index
      %get3A_406 = arith.constant 16 : index
      %get3A_407 = tpu.vector_load %arg8[%get3A_405, %get3A_406] {strides = array<i32>} : memref<512x64xf32, #tpu.memory_space<vmem>>, vector<16xf32>,
      %get3A_408 = arith.index_cast %while3A_394 : i32 to index
      %get3A_409 = arith.constant 16 : index
      %get3A_410 = tpu.vector_load %arg9[%get3A_408, %get3A_409] {strides = array<i32>} : memref<512x64xf32, #tpu.memory_space<vmem>>, vector<16xf32>,
      %get3A_411 = arith.index_cast %while3A_394 : i32 to index
      %get3A_412 = arith.constant 16 : index
      %get3A_413 = tpu.vector_load %arg10[%get3A_411, %get3A_412] {strides = array<i32>} : memref<512x64xf32, #tpu.memory_space<vmem>>, vector<16xf32>,
      %mul3A_414 = arith.mulf %get3A_407, %get3A_410 : vector<16xf32>
      %mul3A_415 = arith.mulf %mul3A_414, %get3A_413 : vector<16xf32>
      %add3A_416 = arith.addf %mul3A_404, %mul3A_415 : vector<16xf32>
      %get3A_417 = arith.index_cast %while3A_394 : i32 to index
      %get3A_418 = arith.constant 32 : index
      %get3A_419 = tpu.vector_load %arg8[%get3A_417, %get3A_418] {strides = array<i32>} : memref<512x64xf32, #tpu.memory_space<vmem>>, vector<16xf32>,
      %get3A_420 = arith.index_cast %while3A_394 : i32 to index
      %get3A_421 = arith.constant 32 : index
      %get3A_422 = tpu.vector_load %arg9[%get3A_420, %get3A_421] {strides = array<i32>} : memref<512x64xf32, #tpu.memory_space<vmem>>, vector<16xf32>,
      %get3A_423 = arith.index_cast %while3A_394 : i32 to index
      %get3A_424 = arith.constant 32 : index
      %get3A_425 = tpu.vector_load %arg10[%get3A_423, %get3A_424] {strides = array<i32>} : memref<512x64xf32, #tpu.memory_space<vmem>>, vector<16xf32>,
      %mul3A_426 = arith.mulf %get3A_419, %get3A_422 : vector<16xf32>
      %mul3A_427 = arith.mulf %mul3A_426, %get3A_425 : vector<16xf32>
      %add3A_428 = arith.addf %add3A_416, %mul3A_427 : vector<16xf32>
      %get3A_429 = arith.index_cast %while3A_394 : i32 to index
      %get3A_430 = arith.constant 48 : index
      %get3A_431 = tpu.vector_load %arg8[%get3A_429, %get3A_430] {strides = array<i32>} : memref<512x64xf32, #tpu.memory_space<vmem>>, vector<16xf32>,
      %get3A_432 = arith.index_cast %while3A_394 : i32 to index
      %get3A_433 = arith.constant 48 : index
      %get3A_434 = tpu.vector_load %arg9[%get3A_432, %get3A_433] {strides = array<i32>} : memref<512x64xf32, #tpu.memory_space<vmem>>, vector<16xf32>,
      %get3A_435 = arith.index_cast %while3A_394 : i32 to index
      %get3A_436 = arith.constant 48 : index
      %get3A_437 = tpu.vector_load %arg10[%get3A_435, %get3A_436] {strides = array<i32>} : memref<512x64xf32, #tpu.memory_space<vmem>>, vector<16xf32>,
      %mul3A_438 = arith.mulf %get3A_431, %get3A_434 : vector<16xf32>
      %mul3A_439 = arith.mulf %mul3A_438, %get3A_437 : vector<16xf32>
      %add3A_440 = arith.addf %add3A_428, %mul3A_439 : vector<16xf32>
      %add3A_441 = vector.broadcast %while3A_394 : i32 to vector<16xi32>
      %add3A_442 = arith.addi %mul3A_170, %add3A_441 : vector<16xi32>
      tpu.vector_store_idx %arg11[%add3A_442], %add3A_440 : memref<8192xf32, #tpu.memory_space<vmem>>[vector<16xi32>], vector<16xf32>,
    }
    %while3A_274 = arith.constant 1 : i32
    scf.for %while3A_394 = %while3A_272 to %while3A_268 step %while3A_274  : i32 {
      %get3A = arith.index_cast %while3A_394 : i32 to index
      %get3A_395 = arith.constant 0 : index
      %get3A_396 = tpu.vector_load %arg8[%get3A, %get3A_395] {strides = array<i32>} : memref<512x64xf32, #tpu.memory_space<vmem>>, vector<16xf32>,
      %get3A_397 = arith.index_cast %while3A_394 : i32 to index
      %get3A_398 = arith.constant 0 : index
      %get3A_399 = tpu.vector_load %arg9[%get3A_397, %get3A_398] {strides = array<i32>} : memref<512x64xf32, #tpu.memory_space<vmem>>, vector<16xf32>,
      %get3A_400 = arith.index_cast %while3A_394 : i32 to index
      %get3A_401 = arith.constant 0 : index
      %get3A_402 = tpu.vector_load %arg10[%get3A_400, %get3A_401] {strides = array<i32>} : memref<512x64xf32, #tpu.memory_space<vmem>>, vector<16xf32>,
      %mul3A_403 = arith.mulf %get3A_396, %get3A_399 : vector<16xf32>
      %mul3A_404 = arith.mulf %mul3A_403, %get3A_402 : vector<16xf32>
      %get3A_405 = arith.index_cast %while3A_394 : i32 to index
      %get3A_406 = arith.constant 16 : index
      %get3A_407 = tpu.vector_load %arg8[%get3A_405, %get3A_406] {strides = array<i32>} : memref<512x64xf32, #tpu.memory_space<vmem>>, vector<16xf32>,
      %get3A_408 = arith.index_cast %while3A_394 : i32 to index
      %get3A_409 = arith.constant 16 : index
      %get3A_410 = tpu.vector_load %arg9[%get3A_408, %get3A_409] {strides = array<i32>} : memref<512x64xf32, #tpu.memory_space<vmem>>, vector<16xf32>,
      %get3A_411 = arith.index_cast %while3A_394 : i32 to index
      %get3A_412 = arith.constant 16 : index
      %get3A_413 = tpu.vector_load %arg10[%get3A_411, %get3A_412] {strides = array<i32>} : memref<512x64xf32, #tpu.memory_space<vmem>>, vector<16xf32>,
      %mul3A_414 = arith.mulf %get3A_407, %get3A_410 : vector<16xf32>
      %mul3A_415 = arith.mulf %mul3A_414, %get3A_413 : vector<16xf32>
      %add3A_416 = arith.addf %mul3A_404, %mul3A_415 : vector<16xf32>
      %get3A_417 = arith.index_cast %while3A_394 : i32 to index
      %get3A_418 = arith.constant 32 : index
      %get3A_419 = tpu.vector_load %arg8[%get3A_417, %get3A_418] {strides = array<i32>} : memref<512x64xf32, #tpu.memory_space<vmem>>, vector<16xf32>,
      %get3A_420 = arith.index_cast %while3A_394 : i32 to index
      %get3A_421 = arith.constant 32 : index
      %get3A_422 = tpu.vector_load %arg9[%get3A_420, %get3A_421] {strides = array<i32>} : memref<512x64xf32, #tpu.memory_space<vmem>>, vector<16xf32>,
      %get3A_423 = arith.index_cast %while3A_394 : i32 to index
      %get3A_424 = arith.constant 32 : index
      %get3A_425 = tpu.vector_load %arg10[%get3A_423, %get3A_424] {strides = array<i32>} : memref<512x64xf32, #tpu.memory_space<vmem>>, vector<16xf32>,
      %mul3A_426 = arith.mulf %get3A_419, %get3A_422 : vector<16xf32>
      %mul3A_427 = arith.mulf %mul3A_426, %get3A_425 : vector<16xf32>
      %add3A_428 = arith.addf %add3A_416, %mul3A_427 : vector<16xf32>
      %get3A_429 = arith.index_cast %while3A_394 : i32 to index
      %get3A_430 = arith.constant 48 : index
      %get3A_431 = tpu.vector_load %arg8[%get3A_429, %get3A_430] {strides = array<i32>} : memref<512x64xf32, #tpu.memory_space<vmem>>, vector<16xf32>,
      %get3A_432 = arith.index_cast %while3A_394 : i32 to index
      %get3A_433 = arith.constant 48 : index
      %get3A_434 = tpu.vector_load %arg9[%get3A_432, %get3A_433] {strides = array<i32>} : memref<512x64xf32, #tpu.memory_space<vmem>>, vector<16xf32>,
      %get3A_435 = arith.index_cast %while3A_394 : i32 to index
      %get3A_436 = arith.constant 48 : index
      %get3A_437 = tpu.vector_load %arg10[%get3A_435, %get3A_436] {strides = array<i32>} : memref<512x64xf32, #tpu.memory_space<vmem>>, vector<16xf32>,
      %mul3A_438 = arith.mulf %get3A_431, %get3A_434 : vector<16xf32>
      %mul3A_439 = arith.mulf %mul3A_438, %get3A_437 : vector<16xf32>
      %add3A_440 = arith.addf %add3A_428, %mul3A_439 : vector<16xf32>
      %add3A_441 = vector.broadcast %while3A_394 : i32 to vector<16xi32>
      %add3A_442 = arith.addi %mul3A_170, %add3A_441 : vector<16xi32>
      tpu.vector_store_idx %arg11[%add3A_442], %add3A_440 : memref<8192xf32, #tpu.memory_space<vmem>>[vector<16xi32>], vector<16xf32>,
    }
    %dma_wait3A_275 = arith.constant 0 : i32
    %dma_wait3A_276 = arith.constant 2 : i32
    %dma_wait3A_277 = arith.constant 2 : i32
    %dma_wait3A_278 = arith.constant 256 : i32
    %dma_wait3A_279 = arith.constant 0 : i32
    %dma_wait3A_280 = tpu.memref_slice %arg8[%dma_wait3A_278, %dma_wait3A_279] : memref<512x64xf32, #tpu.memory_space<vmem>> -> memref<128x64xf32, #tpu.memory_space<vmem>>
    %dma_wait3A_281 = arith.constant 0 : i32
    %dma_wait3A_282 = tpu.memref_slice %arg7[%dma_wait3A_275, %dma_wait3A_276, %dma_wait3A_281] : memref<3x4x128xi32, #tpu.memory_space<vmem>> -> memref<1x1x128xi32, #tpu.memory_space<vmem>>
    %dma_wait3A_283 = tpu.memref_squeeze %dma_wait3A_282 : memref<1x1x128xi32, #tpu.memory_space<vmem>> -> memref<128xi32, #tpu.memory_space<vmem>>
    %dma_wait3A_284 = arith.constant 0 : i32
    %dma_wait3A_285 = arith.constant 0 : i32
    %dma_wait3A_286 = tpu.memref_slice %arg3[%dma_wait3A_284, %dma_wait3A_285] : memref<100000x64xf32, #tpu.memory_space<hbm>> -> memref<100000x64xf32, #tpu.memory_space<hbm>>
    %dma_wait3A_287 = tpu.memref_slice %arg13[%dma_wait3A_277] : memref<4x!tpu.dma_semaphore, #tpu.memory_space<semaphore_mem>> -> memref<1x!tpu.dma_semaphore, #tpu.memory_space<semaphore_mem>>
    %dma_wait3A_288 = tpu.memref_squeeze %dma_wait3A_287 : memref<1x!tpu.dma_semaphore, #tpu.memory_space<semaphore_mem>> -> memref<!tpu.dma_semaphore, #tpu.memory_space<semaphore_mem>>
    tpu.wait_indirect_dma semaphore(%dma_wait3A_288 : memref<!tpu.dma_semaphore, #tpu.memory_space<semaphore_mem>>) src(%dma_wait3A_286 : memref<100000x64xf32, #tpu.memory_space<hbm>>) dst(%dma_wait3A_280 : memref<128x64xf32, #tpu.memory_space<vmem>>)
    %dma_wait3A_289 = arith.constant 1 : i32
    %dma_wait3A_290 = arith.constant 2 : i32
    %dma_wait3A_291 = arith.constant 2 : i32
    %dma_wait3A_292 = arith.constant 256 : i32
    %dma_wait3A_293 = arith.constant 0 : i32
    %dma_wait3A_294 = tpu.memref_slice %arg9[%dma_wait3A_292, %dma_wait3A_293] : memref<512x64xf32, #tpu.memory_space<vmem>> -> memref<128x64xf32, #tpu.memory_space<vmem>>
    %dma_wait3A_295 = arith.constant 0 : i32
    %dma_wait3A_296 = tpu.memref_slice %arg7[%dma_wait3A_289, %dma_wait3A_290, %dma_wait3A_295] : memref<3x4x128xi32, #tpu.memory_space<vmem>> -> memref<1x1x128xi32, #tpu.memory_space<vmem>>
    %dma_wait3A_297 = tpu.memref_squeeze %dma_wait3A_296 : memref<1x1x128xi32, #tpu.memory_space<vmem>> -> memref<128xi32, #tpu.memory_space<vmem>>
    %dma_wait3A_298 = arith.constant 0 : i32
    %dma_wait3A_299 = arith.constant 0 : i32
    %dma_wait3A_300 = tpu.memref_slice %arg4[%dma_wait3A_298, %dma_wait3A_299] : memref<100000x64xf32, #tpu.memory_space<hbm>> -> memref<100000x64xf32, #tpu.memory_space<hbm>>
    %dma_wait3A_301 = tpu.memref_slice %arg13[%dma_wait3A_291] : memref<4x!tpu.dma_semaphore, #tpu.memory_space<semaphore_mem>> -> memref<1x!tpu.dma_semaphore, #tpu.memory_space<semaphore_mem>>
    %dma_wait3A_302 = tpu.memref_squeeze %dma_wait3A_301 : memref<1x!tpu.dma_semaphore, #tpu.memory_space<semaphore_mem>> -> memref<!tpu.dma_semaphore, #tpu.memory_space<semaphore_mem>>
    tpu.wait_indirect_dma semaphore(%dma_wait3A_302 : memref<!tpu.dma_semaphore, #tpu.memory_space<semaphore_mem>>) src(%dma_wait3A_300 : memref<100000x64xf32, #tpu.memory_space<hbm>>) dst(%dma_wait3A_294 : memref<128x64xf32, #tpu.memory_space<vmem>>)
    %dma_wait3A_303 = arith.constant 2 : i32
    %dma_wait3A_304 = arith.constant 2 : i32
    %dma_wait3A_305 = arith.constant 2 : i32
    %dma_wait3A_306 = arith.constant 256 : i32
    %dma_wait3A_307 = arith.constant 0 : i32
    %dma_wait3A_308 = tpu.memref_slice %arg10[%dma_wait3A_306, %dma_wait3A_307] : memref<512x64xf32, #tpu.memory_space<vmem>> -> memref<128x64xf32, #tpu.memory_space<vmem>>
    %dma_wait3A_309 = arith.constant 0 : i32
    %dma_wait3A_310 = tpu.memref_slice %arg7[%dma_wait3A_303, %dma_wait3A_304, %dma_wait3A_309] : memref<3x4x128xi32, #tpu.memory_space<vmem>> -> memref<1x1x128xi32, #tpu.memory_space<vmem>>
    %dma_wait3A_311 = tpu.memref_squeeze %dma_wait3A_310 : memref<1x1x128xi32, #tpu.memory_space<vmem>> -> memref<128xi32, #tpu.memory_space<vmem>>
    %dma_wait3A_312 = arith.constant 0 : i32
    %dma_wait3A_313 = arith.constant 0 : i32
    %dma_wait3A_314 = tpu.memref_slice %arg5[%dma_wait3A_312, %dma_wait3A_313] : memref<100000x64xf32, #tpu.memory_space<hbm>> -> memref<100000x64xf32, #tpu.memory_space<hbm>>
    %dma_wait3A_315 = tpu.memref_slice %arg13[%dma_wait3A_305] : memref<4x!tpu.dma_semaphore, #tpu.memory_space<semaphore_mem>> -> memref<1x!tpu.dma_semaphore, #tpu.memory_space<semaphore_mem>>
    %dma_wait3A_316 = tpu.memref_squeeze %dma_wait3A_315 : memref<1x!tpu.dma_semaphore, #tpu.memory_space<semaphore_mem>> -> memref<!tpu.dma_semaphore, #tpu.memory_space<semaphore_mem>>
    tpu.wait_indirect_dma semaphore(%dma_wait3A_316 : memref<!tpu.dma_semaphore, #tpu.memory_space<semaphore_mem>>) src(%dma_wait3A_314 : memref<100000x64xf32, #tpu.memory_space<hbm>>) dst(%dma_wait3A_308 : memref<128x64xf32, #tpu.memory_space<vmem>>)
    %while3A_317 = arith.constant 0 : i32
    %while3A_318 = arith.constant 256 : i32
    %while3A_319 = arith.constant 384 : i32
    %while3A_320 = arith.subi %while3A_319, %while3A_318 : i32
    %while3A_321 = arith.addi %while3A_318, %while3A_320 : i32
    %while3A_322 = arith.constant 1 : i32
    %while3A_323 = arith.divsi %while3A_320, %while3A_322 : i32
    %while3A_324 = arith.muli %while3A_323, %while3A_322 : i32
    %while3A_325 = arith.addi %while3A_318, %while3A_324 : i32
    %while3A_326 = arith.constant 1 : i32
    scf.for %while3A_394 = %while3A_318 to %while3A_325 step %while3A_326  : i32 {
      %get3A = arith.index_cast %while3A_394 : i32 to index
      %get3A_395 = arith.constant 0 : index
      %get3A_396 = tpu.vector_load %arg8[%get3A, %get3A_395] {strides = array<i32>} : memref<512x64xf32, #tpu.memory_space<vmem>>, vector<16xf32>,
      %get3A_397 = arith.index_cast %while3A_394 : i32 to index
      %get3A_398 = arith.constant 0 : index
      %get3A_399 = tpu.vector_load %arg9[%get3A_397, %get3A_398] {strides = array<i32>} : memref<512x64xf32, #tpu.memory_space<vmem>>, vector<16xf32>,
      %get3A_400 = arith.index_cast %while3A_394 : i32 to index
      %get3A_401 = arith.constant 0 : index
      %get3A_402 = tpu.vector_load %arg10[%get3A_400, %get3A_401] {strides = array<i32>} : memref<512x64xf32, #tpu.memory_space<vmem>>, vector<16xf32>,
      %mul3A_403 = arith.mulf %get3A_396, %get3A_399 : vector<16xf32>
      %mul3A_404 = arith.mulf %mul3A_403, %get3A_402 : vector<16xf32>
      %get3A_405 = arith.index_cast %while3A_394 : i32 to index
      %get3A_406 = arith.constant 16 : index
      %get3A_407 = tpu.vector_load %arg8[%get3A_405, %get3A_406] {strides = array<i32>} : memref<512x64xf32, #tpu.memory_space<vmem>>, vector<16xf32>,
      %get3A_408 = arith.index_cast %while3A_394 : i32 to index
      %get3A_409 = arith.constant 16 : index
      %get3A_410 = tpu.vector_load %arg9[%get3A_408, %get3A_409] {strides = array<i32>} : memref<512x64xf32, #tpu.memory_space<vmem>>, vector<16xf32>,
      %get3A_411 = arith.index_cast %while3A_394 : i32 to index
      %get3A_412 = arith.constant 16 : index
      %get3A_413 = tpu.vector_load %arg10[%get3A_411, %get3A_412] {strides = array<i32>} : memref<512x64xf32, #tpu.memory_space<vmem>>, vector<16xf32>,
      %mul3A_414 = arith.mulf %get3A_407, %get3A_410 : vector<16xf32>
      %mul3A_415 = arith.mulf %mul3A_414, %get3A_413 : vector<16xf32>
      %add3A_416 = arith.addf %mul3A_404, %mul3A_415 : vector<16xf32>
      %get3A_417 = arith.index_cast %while3A_394 : i32 to index
      %get3A_418 = arith.constant 32 : index
      %get3A_419 = tpu.vector_load %arg8[%get3A_417, %get3A_418] {strides = array<i32>} : memref<512x64xf32, #tpu.memory_space<vmem>>, vector<16xf32>,
      %get3A_420 = arith.index_cast %while3A_394 : i32 to index
      %get3A_421 = arith.constant 32 : index
      %get3A_422 = tpu.vector_load %arg9[%get3A_420, %get3A_421] {strides = array<i32>} : memref<512x64xf32, #tpu.memory_space<vmem>>, vector<16xf32>,
      %get3A_423 = arith.index_cast %while3A_394 : i32 to index
      %get3A_424 = arith.constant 32 : index
      %get3A_425 = tpu.vector_load %arg10[%get3A_423, %get3A_424] {strides = array<i32>} : memref<512x64xf32, #tpu.memory_space<vmem>>, vector<16xf32>,
      %mul3A_426 = arith.mulf %get3A_419, %get3A_422 : vector<16xf32>
      %mul3A_427 = arith.mulf %mul3A_426, %get3A_425 : vector<16xf32>
      %add3A_428 = arith.addf %add3A_416, %mul3A_427 : vector<16xf32>
      %get3A_429 = arith.index_cast %while3A_394 : i32 to index
      %get3A_430 = arith.constant 48 : index
      %get3A_431 = tpu.vector_load %arg8[%get3A_429, %get3A_430] {strides = array<i32>} : memref<512x64xf32, #tpu.memory_space<vmem>>, vector<16xf32>,
      %get3A_432 = arith.index_cast %while3A_394 : i32 to index
      %get3A_433 = arith.constant 48 : index
      %get3A_434 = tpu.vector_load %arg9[%get3A_432, %get3A_433] {strides = array<i32>} : memref<512x64xf32, #tpu.memory_space<vmem>>, vector<16xf32>,
      %get3A_435 = arith.index_cast %while3A_394 : i32 to index
      %get3A_436 = arith.constant 48 : index
      %get3A_437 = tpu.vector_load %arg10[%get3A_435, %get3A_436] {strides = array<i32>} : memref<512x64xf32, #tpu.memory_space<vmem>>, vector<16xf32>,
      %mul3A_438 = arith.mulf %get3A_431, %get3A_434 : vector<16xf32>
      %mul3A_439 = arith.mulf %mul3A_438, %get3A_437 : vector<16xf32>
      %add3A_440 = arith.addf %add3A_428, %mul3A_439 : vector<16xf32>
      %add3A_441 = vector.broadcast %while3A_394 : i32 to vector<16xi32>
      %add3A_442 = arith.addi %mul3A_170, %add3A_441 : vector<16xi32>
      tpu.vector_store_idx %arg11[%add3A_442], %add3A_440 : memref<8192xf32, #tpu.memory_space<vmem>>[vector<16xi32>], vector<16xf32>,
    }
    %while3A_327 = arith.constant 1 : i32
    scf.for %while3A_394 = %while3A_325 to %while3A_321 step %while3A_327  : i32 {
      %get3A = arith.index_cast %while3A_394 : i32 to index
      %get3A_395 = arith.constant 0 : index
      %get3A_396 = tpu.vector_load %arg8[%get3A, %get3A_395] {strides = array<i32>} : memref<512x64xf32, #tpu.memory_space<vmem>>, vector<16xf32>,
      %get3A_397 = arith.index_cast %while3A_394 : i32 to index
      %get3A_398 = arith.constant 0 : index
      %get3A_399 = tpu.vector_load %arg9[%get3A_397, %get3A_398] {strides = array<i32>} : memref<512x64xf32, #tpu.memory_space<vmem>>, vector<16xf32>,
      %get3A_400 = arith.index_cast %while3A_394 : i32 to index
      %get3A_401 = arith.constant 0 : index
      %get3A_402 = tpu.vector_load %arg10[%get3A_400, %get3A_401] {strides = array<i32>} : memref<512x64xf32, #tpu.memory_space<vmem>>, vector<16xf32>,
      %mul3A_403 = arith.mulf %get3A_396, %get3A_399 : vector<16xf32>
      %mul3A_404 = arith.mulf %mul3A_403, %get3A_402 : vector<16xf32>
      %get3A_405 = arith.index_cast %while3A_394 : i32 to index
      %get3A_406 = arith.constant 16 : index
      %get3A_407 = tpu.vector_load %arg8[%get3A_405, %get3A_406] {strides = array<i32>} : memref<512x64xf32, #tpu.memory_space<vmem>>, vector<16xf32>,
      %get3A_408 = arith.index_cast %while3A_394 : i32 to index
      %get3A_409 = arith.constant 16 : index
      %get3A_410 = tpu.vector_load %arg9[%get3A_408, %get3A_409] {strides = array<i32>} : memref<512x64xf32, #tpu.memory_space<vmem>>, vector<16xf32>,
      %get3A_411 = arith.index_cast %while3A_394 : i32 to index
      %get3A_412 = arith.constant 16 : index
      %get3A_413 = tpu.vector_load %arg10[%get3A_411, %get3A_412] {strides = array<i32>} : memref<512x64xf32, #tpu.memory_space<vmem>>, vector<16xf32>,
      %mul3A_414 = arith.mulf %get3A_407, %get3A_410 : vector<16xf32>
      %mul3A_415 = arith.mulf %mul3A_414, %get3A_413 : vector<16xf32>
      %add3A_416 = arith.addf %mul3A_404, %mul3A_415 : vector<16xf32>
      %get3A_417 = arith.index_cast %while3A_394 : i32 to index
      %get3A_418 = arith.constant 32 : index
      %get3A_419 = tpu.vector_load %arg8[%get3A_417, %get3A_418] {strides = array<i32>} : memref<512x64xf32, #tpu.memory_space<vmem>>, vector<16xf32>,
      %get3A_420 = arith.index_cast %while3A_394 : i32 to index
      %get3A_421 = arith.constant 32 : index
      %get3A_422 = tpu.vector_load %arg9[%get3A_420, %get3A_421] {strides = array<i32>} : memref<512x64xf32, #tpu.memory_space<vmem>>, vector<16xf32>,
      %get3A_423 = arith.index_cast %while3A_394 : i32 to index
      %get3A_424 = arith.constant 32 : index
      %get3A_425 = tpu.vector_load %arg10[%get3A_423, %get3A_424] {strides = array<i32>} : memref<512x64xf32, #tpu.memory_space<vmem>>, vector<16xf32>,
      %mul3A_426 = arith.mulf %get3A_419, %get3A_422 : vector<16xf32>
      %mul3A_427 = arith.mulf %mul3A_426, %get3A_425 : vector<16xf32>
      %add3A_428 = arith.addf %add3A_416, %mul3A_427 : vector<16xf32>
      %get3A_429 = arith.index_cast %while3A_394 : i32 to index
      %get3A_430 = arith.constant 48 : index
      %get3A_431 = tpu.vector_load %arg8[%get3A_429, %get3A_430] {strides = array<i32>} : memref<512x64xf32, #tpu.memory_space<vmem>>, vector<16xf32>,
      %get3A_432 = arith.index_cast %while3A_394 : i32 to index
      %get3A_433 = arith.constant 48 : index
      %get3A_434 = tpu.vector_load %arg9[%get3A_432, %get3A_433] {strides = array<i32>} : memref<512x64xf32, #tpu.memory_space<vmem>>, vector<16xf32>,
      %get3A_435 = arith.index_cast %while3A_394 : i32 to index
      %get3A_436 = arith.constant 48 : index
      %get3A_437 = tpu.vector_load %arg10[%get3A_435, %get3A_436] {strides = array<i32>} : memref<512x64xf32, #tpu.memory_space<vmem>>, vector<16xf32>,
      %mul3A_438 = arith.mulf %get3A_431, %get3A_434 : vector<16xf32>
      %mul3A_439 = arith.mulf %mul3A_438, %get3A_437 : vector<16xf32>
      %add3A_440 = arith.addf %add3A_428, %mul3A_439 : vector<16xf32>
      %add3A_441 = vector.broadcast %while3A_394 : i32 to vector<16xi32>
      %add3A_442 = arith.addi %mul3A_170, %add3A_441 : vector<16xi32>
      tpu.vector_store_idx %arg11[%add3A_442], %add3A_440 : memref<8192xf32, #tpu.memory_space<vmem>>[vector<16xi32>], vector<16xf32>,
    }
    %dma_wait3A_328 = arith.constant 0 : i32
    %dma_wait3A_329 = arith.constant 3 : i32
    %dma_wait3A_330 = arith.constant 3 : i32
    %dma_wait3A_331 = arith.constant 384 : i32
    %dma_wait3A_332 = arith.constant 0 : i32
    %dma_wait3A_333 = tpu.memref_slice %arg8[%dma_wait3A_331, %dma_wait3A_332] : memref<512x64xf32, #tpu.memory_space<vmem>> -> memref<128x64xf32, #tpu.memory_space<vmem>>
    %dma_wait3A_334 = arith.constant 0 : i32
    %dma_wait3A_335 = tpu.memref_slice %arg7[%dma_wait3A_328, %dma_wait3A_329, %dma_wait3A_334] : memref<3x4x128xi32, #tpu.memory_space<vmem>> -> memref<1x1x128xi32, #tpu.memory_space<vmem>>
    %dma_wait3A_336 = tpu.memref_squeeze %dma_wait3A_335 : memref<1x1x128xi32, #tpu.memory_space<vmem>> -> memref<128xi32, #tpu.memory_space<vmem>>
    %dma_wait3A_337 = arith.constant 0 : i32
    %dma_wait3A_338 = arith.constant 0 : i32
    %dma_wait3A_339 = tpu.memref_slice %arg3[%dma_wait3A_337, %dma_wait3A_338] : memref<100000x64xf32, #tpu.memory_space<hbm>> -> memref<100000x64xf32, #tpu.memory_space<hbm>>
    %dma_wait3A_340 = tpu.memref_slice %arg13[%dma_wait3A_330] : memref<4x!tpu.dma_semaphore, #tpu.memory_space<semaphore_mem>> -> memref<1x!tpu.dma_semaphore, #tpu.memory_space<semaphore_mem>>
    %dma_wait3A_341 = tpu.memref_squeeze %dma_wait3A_340 : memref<1x!tpu.dma_semaphore, #tpu.memory_space<semaphore_mem>> -> memref<!tpu.dma_semaphore, #tpu.memory_space<semaphore_mem>>
    tpu.wait_indirect_dma semaphore(%dma_wait3A_341 : memref<!tpu.dma_semaphore, #tpu.memory_space<semaphore_mem>>) src(%dma_wait3A_339 : memref<100000x64xf32, #tpu.memory_space<hbm>>) dst(%dma_wait3A_333 : memref<128x64xf32, #tpu.memory_space<vmem>>)
    %dma_wait3A_342 = arith.constant 1 : i32
    %dma_wait3A_343 = arith.constant 3 : i32
    %dma_wait3A_344 = arith.constant 3 : i32
    %dma_wait3A_345 = arith.constant 384 : i32
    %dma_wait3A_346 = arith.constant 0 : i32
    %dma_wait3A_347 = tpu.memref_slice %arg9[%dma_wait3A_345, %dma_wait3A_346] : memref<512x64xf32, #tpu.memory_space<vmem>> -> memref<128x64xf32, #tpu.memory_space<vmem>>
    %dma_wait3A_348 = arith.constant 0 : i32
    %dma_wait3A_349 = tpu.memref_slice %arg7[%dma_wait3A_342, %dma_wait3A_343, %dma_wait3A_348] : memref<3x4x128xi32, #tpu.memory_space<vmem>> -> memref<1x1x128xi32, #tpu.memory_space<vmem>>
    %dma_wait3A_350 = tpu.memref_squeeze %dma_wait3A_349 : memref<1x1x128xi32, #tpu.memory_space<vmem>> -> memref<128xi32, #tpu.memory_space<vmem>>
    %dma_wait3A_351 = arith.constant 0 : i32
    %dma_wait3A_352 = arith.constant 0 : i32
    %dma_wait3A_353 = tpu.memref_slice %arg4[%dma_wait3A_351, %dma_wait3A_352] : memref<100000x64xf32, #tpu.memory_space<hbm>> -> memref<100000x64xf32, #tpu.memory_space<hbm>>
    %dma_wait3A_354 = tpu.memref_slice %arg13[%dma_wait3A_344] : memref<4x!tpu.dma_semaphore, #tpu.memory_space<semaphore_mem>> -> memref<1x!tpu.dma_semaphore, #tpu.memory_space<semaphore_mem>>
    %dma_wait3A_355 = tpu.memref_squeeze %dma_wait3A_354 : memref<1x!tpu.dma_semaphore, #tpu.memory_space<semaphore_mem>> -> memref<!tpu.dma_semaphore, #tpu.memory_space<semaphore_mem>>
    tpu.wait_indirect_dma semaphore(%dma_wait3A_355 : memref<!tpu.dma_semaphore, #tpu.memory_space<semaphore_mem>>) src(%dma_wait3A_353 : memref<100000x64xf32, #tpu.memory_space<hbm>>) dst(%dma_wait3A_347 : memref<128x64xf32, #tpu.memory_space<vmem>>)
    %dma_wait3A_356 = arith.constant 2 : i32
    %dma_wait3A_357 = arith.constant 3 : i32
    %dma_wait3A_358 = arith.constant 3 : i32
    %dma_wait3A_359 = arith.constant 384 : i32
    %dma_wait3A_360 = arith.constant 0 : i32
    %dma_wait3A_361 = tpu.memref_slice %arg10[%dma_wait3A_359, %dma_wait3A_360] : memref<512x64xf32, #tpu.memory_space<vmem>> -> memref<128x64xf32, #tpu.memory_space<vmem>>
    %dma_wait3A_362 = arith.constant 0 : i32
    %dma_wait3A_363 = tpu.memref_slice %arg7[%dma_wait3A_356, %dma_wait3A_357, %dma_wait3A_362] : memref<3x4x128xi32, #tpu.memory_space<vmem>> -> memref<1x1x128xi32, #tpu.memory_space<vmem>>
    %dma_wait3A_364 = tpu.memref_squeeze %dma_wait3A_363 : memref<1x1x128xi32, #tpu.memory_space<vmem>> -> memref<128xi32, #tpu.memory_space<vmem>>
    %dma_wait3A_365 = arith.constant 0 : i32
    %dma_wait3A_366 = arith.constant 0 : i32
    %dma_wait3A_367 = tpu.memref_slice %arg5[%dma_wait3A_365, %dma_wait3A_366] : memref<100000x64xf32, #tpu.memory_space<hbm>> -> memref<100000x64xf32, #tpu.memory_space<hbm>>
    %dma_wait3A_368 = tpu.memref_slice %arg13[%dma_wait3A_358] : memref<4x!tpu.dma_semaphore, #tpu.memory_space<semaphore_mem>> -> memref<1x!tpu.dma_semaphore, #tpu.memory_space<semaphore_mem>>
    %dma_wait3A_369 = tpu.memref_squeeze %dma_wait3A_368 : memref<1x!tpu.dma_semaphore, #tpu.memory_space<semaphore_mem>> -> memref<!tpu.dma_semaphore, #tpu.memory_space<semaphore_mem>>
    tpu.wait_indirect_dma semaphore(%dma_wait3A_369 : memref<!tpu.dma_semaphore, #tpu.memory_space<semaphore_mem>>) src(%dma_wait3A_367 : memref<100000x64xf32, #tpu.memory_space<hbm>>) dst(%dma_wait3A_361 : memref<128x64xf32, #tpu.memory_space<vmem>>)
    %while3A_370 = arith.constant 0 : i32
    %while3A_371 = arith.constant 384 : i32
    %while3A_372 = arith.constant 512 : i32
    %while3A_373 = arith.subi %while3A_372, %while3A_371 : i32
    %while3A_374 = arith.addi %while3A_371, %while3A_373 : i32
    %while3A_375 = arith.constant 1 : i32
    %while3A_376 = arith.divsi %while3A_373, %while3A_375 : i32
    %while3A_377 = arith.muli %while3A_376, %while3A_375 : i32
    %while3A_378 = arith.addi %while3A_371, %while3A_377 : i32
    %while3A_379 = arith.constant 1 : i32
    scf.for %while3A_394 = %while3A_371 to %while3A_378 step %while3A_379  : i32 {
      %get3A = arith.index_cast %while3A_394 : i32 to index
      %get3A_395 = arith.constant 0 : index
      %get3A_396 = tpu.vector_load %arg8[%get3A, %get3A_395] {strides = array<i32>} : memref<512x64xf32, #tpu.memory_space<vmem>>, vector<16xf32>,
      %get3A_397 = arith.index_cast %while3A_394 : i32 to index
      %get3A_398 = arith.constant 0 : index
      %get3A_399 = tpu.vector_load %arg9[%get3A_397, %get3A_398] {strides = array<i32>} : memref<512x64xf32, #tpu.memory_space<vmem>>, vector<16xf32>,
      %get3A_400 = arith.index_cast %while3A_394 : i32 to index
      %get3A_401 = arith.constant 0 : index
      %get3A_402 = tpu.vector_load %arg10[%get3A_400, %get3A_401] {strides = array<i32>} : memref<512x64xf32, #tpu.memory_space<vmem>>, vector<16xf32>,
      %mul3A_403 = arith.mulf %get3A_396, %get3A_399 : vector<16xf32>
      %mul3A_404 = arith.mulf %mul3A_403, %get3A_402 : vector<16xf32>
      %get3A_405 = arith.index_cast %while3A_394 : i32 to index
      %get3A_406 = arith.constant 16 : index
      %get3A_407 = tpu.vector_load %arg8[%get3A_405, %get3A_406] {strides = array<i32>} : memref<512x64xf32, #tpu.memory_space<vmem>>, vector<16xf32>,
      %get3A_408 = arith.index_cast %while3A_394 : i32 to index
      %get3A_409 = arith.constant 16 : index
      %get3A_410 = tpu.vector_load %arg9[%get3A_408, %get3A_409] {strides = array<i32>} : memref<512x64xf32, #tpu.memory_space<vmem>>, vector<16xf32>,
      %get3A_411 = arith.index_cast %while3A_394 : i32 to index
      %get3A_412 = arith.constant 16 : index
      %get3A_413 = tpu.vector_load %arg10[%get3A_411, %get3A_412] {strides = array<i32>} : memref<512x64xf32, #tpu.memory_space<vmem>>, vector<16xf32>,
      %mul3A_414 = arith.mulf %get3A_407, %get3A_410 : vector<16xf32>
      %mul3A_415 = arith.mulf %mul3A_414, %get3A_413 : vector<16xf32>
      %add3A_416 = arith.addf %mul3A_404, %mul3A_415 : vector<16xf32>
      %get3A_417 = arith.index_cast %while3A_394 : i32 to index
      %get3A_418 = arith.constant 32 : index
      %get3A_419 = tpu.vector_load %arg8[%get3A_417, %get3A_418] {strides = array<i32>} : memref<512x64xf32, #tpu.memory_space<vmem>>, vector<16xf32>,
      %get3A_420 = arith.index_cast %while3A_394 : i32 to index
      %get3A_421 = arith.constant 32 : index
      %get3A_422 = tpu.vector_load %arg9[%get3A_420, %get3A_421] {strides = array<i32>} : memref<512x64xf32, #tpu.memory_space<vmem>>, vector<16xf32>,
      %get3A_423 = arith.index_cast %while3A_394 : i32 to index
      %get3A_424 = arith.constant 32 : index
      %get3A_425 = tpu.vector_load %arg10[%get3A_423, %get3A_424] {strides = array<i32>} : memref<512x64xf32, #tpu.memory_space<vmem>>, vector<16xf32>,
      %mul3A_426 = arith.mulf %get3A_419, %get3A_422 : vector<16xf32>
      %mul3A_427 = arith.mulf %mul3A_426, %get3A_425 : vector<16xf32>
      %add3A_428 = arith.addf %add3A_416, %mul3A_427 : vector<16xf32>
      %get3A_429 = arith.index_cast %while3A_394 : i32 to index
      %get3A_430 = arith.constant 48 : index
      %get3A_431 = tpu.vector_load %arg8[%get3A_429, %get3A_430] {strides = array<i32>} : memref<512x64xf32, #tpu.memory_space<vmem>>, vector<16xf32>,
      %get3A_432 = arith.index_cast %while3A_394 : i32 to index
      %get3A_433 = arith.constant 48 : index
      %get3A_434 = tpu.vector_load %arg9[%get3A_432, %get3A_433] {strides = array<i32>} : memref<512x64xf32, #tpu.memory_space<vmem>>, vector<16xf32>,
      %get3A_435 = arith.index_cast %while3A_394 : i32 to index
      %get3A_436 = arith.constant 48 : index
      %get3A_437 = tpu.vector_load %arg10[%get3A_435, %get3A_436] {strides = array<i32>} : memref<512x64xf32, #tpu.memory_space<vmem>>, vector<16xf32>,
      %mul3A_438 = arith.mulf %get3A_431, %get3A_434 : vector<16xf32>
      %mul3A_439 = arith.mulf %mul3A_438, %get3A_437 : vector<16xf32>
      %add3A_440 = arith.addf %add3A_428, %mul3A_439 : vector<16xf32>
      %add3A_441 = vector.broadcast %while3A_394 : i32 to vector<16xi32>
      %add3A_442 = arith.addi %mul3A_170, %add3A_441 : vector<16xi32>
      tpu.vector_store_idx %arg11[%add3A_442], %add3A_440 : memref<8192xf32, #tpu.memory_space<vmem>>[vector<16xi32>], vector<16xf32>,
    }
    %while3A_380 = arith.constant 1 : i32
    scf.for %while3A_394 = %while3A_378 to %while3A_374 step %while3A_380  : i32 {
      %get3A = arith.index_cast %while3A_394 : i32 to index
      %get3A_395 = arith.constant 0 : index
      %get3A_396 = tpu.vector_load %arg8[%get3A, %get3A_395] {strides = array<i32>} : memref<512x64xf32, #tpu.memory_space<vmem>>, vector<16xf32>,
      %get3A_397 = arith.index_cast %while3A_394 : i32 to index
      %get3A_398 = arith.constant 0 : index
      %get3A_399 = tpu.vector_load %arg9[%get3A_397, %get3A_398] {strides = array<i32>} : memref<512x64xf32, #tpu.memory_space<vmem>>, vector<16xf32>,
      %get3A_400 = arith.index_cast %while3A_394 : i32 to index
      %get3A_401 = arith.constant 0 : index
      %get3A_402 = tpu.vector_load %arg10[%get3A_400, %get3A_401] {strides = array<i32>} : memref<512x64xf32, #tpu.memory_space<vmem>>, vector<16xf32>,
      %mul3A_403 = arith.mulf %get3A_396, %get3A_399 : vector<16xf32>
      %mul3A_404 = arith.mulf %mul3A_403, %get3A_402 : vector<16xf32>
      %get3A_405 = arith.index_cast %while3A_394 : i32 to index
      %get3A_406 = arith.constant 16 : index
      %get3A_407 = tpu.vector_load %arg8[%get3A_405, %get3A_406] {strides = array<i32>} : memref<512x64xf32, #tpu.memory_space<vmem>>, vector<16xf32>,
      %get3A_408 = arith.index_cast %while3A_394 : i32 to index
      %get3A_409 = arith.constant 16 : index
      %get3A_410 = tpu.vector_load %arg9[%get3A_408, %get3A_409] {strides = array<i32>} : memref<512x64xf32, #tpu.memory_space<vmem>>, vector<16xf32>,
      %get3A_411 = arith.index_cast %while3A_394 : i32 to index
      %get3A_412 = arith.constant 16 : index
      %get3A_413 = tpu.vector_load %arg10[%get3A_411, %get3A_412] {strides = array<i32>} : memref<512x64xf32, #tpu.memory_space<vmem>>, vector<16xf32>,
      %mul3A_414 = arith.mulf %get3A_407, %get3A_410 : vector<16xf32>
      %mul3A_415 = arith.mulf %mul3A_414, %get3A_413 : vector<16xf32>
      %add3A_416 = arith.addf %mul3A_404, %mul3A_415 : vector<16xf32>
      %get3A_417 = arith.index_cast %while3A_394 : i32 to index
      %get3A_418 = arith.constant 32 : index
      %get3A_419 = tpu.vector_load %arg8[%get3A_417, %get3A_418] {strides = array<i32>} : memref<512x64xf32, #tpu.memory_space<vmem>>, vector<16xf32>,
      %get3A_420 = arith.index_cast %while3A_394 : i32 to index
      %get3A_421 = arith.constant 32 : index
      %get3A_422 = tpu.vector_load %arg9[%get3A_420, %get3A_421] {strides = array<i32>} : memref<512x64xf32, #tpu.memory_space<vmem>>, vector<16xf32>,
      %get3A_423 = arith.index_cast %while3A_394 : i32 to index
      %get3A_424 = arith.constant 32 : index
      %get3A_425 = tpu.vector_load %arg10[%get3A_423, %get3A_424] {strides = array<i32>} : memref<512x64xf32, #tpu.memory_space<vmem>>, vector<16xf32>,
      %mul3A_426 = arith.mulf %get3A_419, %get3A_422 : vector<16xf32>
      %mul3A_427 = arith.mulf %mul3A_426, %get3A_425 : vector<16xf32>
      %add3A_428 = arith.addf %add3A_416, %mul3A_427 : vector<16xf32>
      %get3A_429 = arith.index_cast %while3A_394 : i32 to index
      %get3A_430 = arith.constant 48 : index
      %get3A_431 = tpu.vector_load %arg8[%get3A_429, %get3A_430] {strides = array<i32>} : memref<512x64xf32, #tpu.memory_space<vmem>>, vector<16xf32>,
      %get3A_432 = arith.index_cast %while3A_394 : i32 to index
      %get3A_433 = arith.constant 48 : index
      %get3A_434 = tpu.vector_load %arg9[%get3A_432, %get3A_433] {strides = array<i32>} : memref<512x64xf32, #tpu.memory_space<vmem>>, vector<16xf32>,
      %get3A_435 = arith.index_cast %while3A_394 : i32 to index
      %get3A_436 = arith.constant 48 : index
      %get3A_437 = tpu.vector_load %arg10[%get3A_435, %get3A_436] {strides = array<i32>} : memref<512x64xf32, #tpu.memory_space<vmem>>, vector<16xf32>,
      %mul3A_438 = arith.mulf %get3A_431, %get3A_434 : vector<16xf32>
      %mul3A_439 = arith.mulf %mul3A_438, %get3A_437 : vector<16xf32>
      %add3A_440 = arith.addf %add3A_428, %mul3A_439 : vector<16xf32>
      %add3A_441 = vector.broadcast %while3A_394 : i32 to vector<16xi32>
      %add3A_442 = arith.addi %mul3A_170, %add3A_441 : vector<16xi32>
      tpu.vector_store_idx %arg11[%add3A_442], %add3A_440 : memref<8192xf32, #tpu.memory_space<vmem>>[vector<16xi32>], vector<16xf32>,
    }
    %while3A_381 = arith.constant 0 : i32
    %while3A_382 = arith.constant 0 : i32
    %while3A_383 = arith.constant 32 : i32
    %while3A_384 = arith.subi %while3A_383, %while3A_382 : i32
    %while3A_385 = arith.addi %while3A_382, %while3A_384 : i32
    %while3A_386 = arith.constant 1 : i32
    %while3A_387 = arith.divsi %while3A_384, %while3A_386 : i32
    %while3A_388 = arith.muli %while3A_387, %while3A_386 : i32
    %while3A_389 = arith.addi %while3A_382, %while3A_388 : i32
    %while3A_390 = arith.constant 1 : i32
    scf.for %while3A_394 = %while3A_382 to %while3A_389 step %while3A_390  : i32 {
      %mul3A_395 = arith.constant 16 : i32
      %mul3A_396 = arith.muli %while3A_394, %mul3A_395 : i32
      %get3A = arith.index_cast %mul3A_396 : i32 to index
      %get3A_397 = tpu.vector_load %arg11[%get3A] {strides = array<i32>} : memref<8192xf32, #tpu.memory_space<vmem>>, vector<16xf32>,
      %add3A_398 = arith.constant 512 : i32
      %add3A_399 = arith.addi %add3A_398, %mul3A_396 : i32
      %get3A_400 = arith.index_cast %add3A_399 : i32 to index
      %get3A_401 = tpu.vector_load %arg11[%get3A_400] {strides = array<i32>} : memref<8192xf32, #tpu.memory_space<vmem>>, vector<16xf32>,
      %add3A_402 = arith.addf %get3A_397, %get3A_401 : vector<16xf32>
      %add3A_403 = arith.constant 1024 : i32
      %add3A_404 = arith.addi %add3A_403, %mul3A_396 : i32
      %get3A_405 = arith.index_cast %add3A_404 : i32 to index
      %get3A_406 = tpu.vector_load %arg11[%get3A_405] {strides = array<i32>} : memref<8192xf32, #tpu.memory_space<vmem>>, vector<16xf32>,
      %add3A_407 = arith.addf %add3A_402, %get3A_406 : vector<16xf32>
      %add3A_408 = arith.constant 1536 : i32
      %add3A_409 = arith.addi %add3A_408, %mul3A_396 : i32
      %get3A_410 = arith.index_cast %add3A_409 : i32 to index
      %get3A_411 = tpu.vector_load %arg11[%get3A_410] {strides = array<i32>} : memref<8192xf32, #tpu.memory_space<vmem>>, vector<16xf32>,
      %add3A_412 = arith.addf %add3A_407, %get3A_411 : vector<16xf32>
      %add3A_413 = arith.constant 2048 : i32
      %add3A_414 = arith.addi %add3A_413, %mul3A_396 : i32
      %get3A_415 = arith.index_cast %add3A_414 : i32 to index
      %get3A_416 = tpu.vector_load %arg11[%get3A_415] {strides = array<i32>} : memref<8192xf32, #tpu.memory_space<vmem>>, vector<16xf32>,
      %add3A_417 = arith.addf %add3A_412, %get3A_416 : vector<16xf32>
      %add3A_418 = arith.constant 2560 : i32
      %add3A_419 = arith.addi %add3A_418, %mul3A_396 : i32
      %get3A_420 = arith.index_cast %add3A_419 : i32 to index
      %get3A_421 = tpu.vector_load %arg11[%get3A_420] {strides = array<i32>} : memref<8192xf32, #tpu.memory_space<vmem>>, vector<16xf32>,
      %add3A_422 = arith.addf %add3A_417, %get3A_421 : vector<16xf32>
      %add3A_423 = arith.constant 3072 : i32
      %add3A_424 = arith.addi %add3A_423, %mul3A_396 : i32
      %get3A_425 = arith.index_cast %add3A_424 : i32 to index
      %get3A_426 = tpu.vector_load %arg11[%get3A_425] {strides = array<i32>} : memref<8192xf32, #tpu.memory_space<vmem>>, vector<16xf32>,
      %add3A_427 = arith.addf %add3A_422, %get3A_426 : vector<16xf32>
      %add3A_428 = arith.constant 3584 : i32
      %add3A_429 = arith.addi %add3A_428, %mul3A_396 : i32
      %get3A_430 = arith.index_cast %add3A_429 : i32 to index
      %get3A_431 = tpu.vector_load %arg11[%get3A_430] {strides = array<i32>} : memref<8192xf32, #tpu.memory_space<vmem>>, vector<16xf32>,
      %add3A_432 = arith.addf %add3A_427, %get3A_431 : vector<16xf32>
      %add3A_433 = arith.constant 4096 : i32
      %add3A_434 = arith.addi %add3A_433, %mul3A_396 : i32
      %get3A_435 = arith.index_cast %add3A_434 : i32 to index
      %get3A_436 = tpu.vector_load %arg11[%get3A_435] {strides = array<i32>} : memref<8192xf32, #tpu.memory_space<vmem>>, vector<16xf32>,
      %add3A_437 = arith.addf %add3A_432, %get3A_436 : vector<16xf32>
      %add3A_438 = arith.constant 4608 : i32
      %add3A_439 = arith.addi %add3A_438, %mul3A_396 : i32
      %get3A_440 = arith.index_cast %add3A_439 : i32 to index
      %get3A_441 = tpu.vector_load %arg11[%get3A_440] {strides = array<i32>} : memref<8192xf32, #tpu.memory_space<vmem>>, vector<16xf32>,
      %add3A_442 = arith.addf %add3A_437, %get3A_441 : vector<16xf32>
      %add3A_443 = arith.constant 5120 : i32
      %add3A_444 = arith.addi %add3A_443, %mul3A_396 : i32
      %get3A_445 = arith.index_cast %add3A_444 : i32 to index
      %get3A_446 = tpu.vector_load %arg11[%get3A_445] {strides = array<i32>} : memref<8192xf32, #tpu.memory_space<vmem>>, vector<16xf32>,
      %add3A_447 = arith.addf %add3A_442, %get3A_446 : vector<16xf32>
      %add3A_448 = arith.constant 5632 : i32
      %add3A_449 = arith.addi %add3A_448, %mul3A_396 : i32
      %get3A_450 = arith.index_cast %add3A_449 : i32 to index
      %get3A_451 = tpu.vector_load %arg11[%get3A_450] {strides = array<i32>} : memref<8192xf32, #tpu.memory_space<vmem>>, vector<16xf32>,
      %add3A_452 = arith.addf %add3A_447, %get3A_451 : vector<16xf32>
      %add3A_453 = arith.constant 6144 : i32
      %add3A_454 = arith.addi %add3A_453, %mul3A_396 : i32
      %get3A_455 = arith.index_cast %add3A_454 : i32 to index
      %get3A_456 = tpu.vector_load %arg11[%get3A_455] {strides = array<i32>} : memref<8192xf32, #tpu.memory_space<vmem>>, vector<16xf32>,
      %add3A_457 = arith.addf %add3A_452, %get3A_456 : vector<16xf32>
      %add3A_458 = arith.constant 6656 : i32
      %add3A_459 = arith.addi %add3A_458, %mul3A_396 : i32
      %get3A_460 = arith.index_cast %add3A_459 : i32 to index
      %get3A_461 = tpu.vector_load %arg11[%get3A_460] {strides = array<i32>} : memref<8192xf32, #tpu.memory_space<vmem>>, vector<16xf32>,
      %add3A_462 = arith.addf %add3A_457, %get3A_461 : vector<16xf32>
      %add3A_463 = arith.constant 7168 : i32
      %add3A_464 = arith.addi %add3A_463, %mul3A_396 : i32
      %get3A_465 = arith.index_cast %add3A_464 : i32 to index
      %get3A_466 = tpu.vector_load %arg11[%get3A_465] {strides = array<i32>} : memref<8192xf32, #tpu.memory_space<vmem>>, vector<16xf32>,
      %add3A_467 = arith.addf %add3A_462, %get3A_466 : vector<16xf32>
      %add3A_468 = arith.constant 7680 : i32
      %add3A_469 = arith.addi %add3A_468, %mul3A_396 : i32
      %get3A_470 = arith.index_cast %add3A_469 : i32 to index
      %get3A_471 = tpu.vector_load %arg11[%get3A_470] {strides = array<i32>} : memref<8192xf32, #tpu.memory_space<vmem>>, vector<16xf32>,
      %add3A_472 = arith.addf %add3A_467, %get3A_471 : vector<16xf32>
      %swap3A = arith.index_cast %mul3A_396 : i32 to index
      %swap3A_473 = tpu.vector_load %arg12[%swap3A] {strides = array<i32>} : memref<512xf32, #tpu.memory_space<vmem>>, vector<16xf32>,
      tpu.vector_store %arg12[%swap3A], %add3A_472 {strides = array<i32>} : memref<512xf32, #tpu.memory_space<vmem>>, vector<16xf32>,
    }
    %while3A_391 = arith.constant 1 : i32
    scf.for %while3A_394 = %while3A_389 to %while3A_385 step %while3A_391  : i32 {
      %mul3A_395 = arith.constant 16 : i32
      %mul3A_396 = arith.muli %while3A_394, %mul3A_395 : i32
      %get3A = arith.index_cast %mul3A_396 : i32 to index
      %get3A_397 = tpu.vector_load %arg11[%get3A] {strides = array<i32>} : memref<8192xf32, #tpu.memory_space<vmem>>, vector<16xf32>,
      %add3A_398 = arith.constant 512 : i32
      %add3A_399 = arith.addi %add3A_398, %mul3A_396 : i32
      %get3A_400 = arith.index_cast %add3A_399 : i32 to index
      %get3A_401 = tpu.vector_load %arg11[%get3A_400] {strides = array<i32>} : memref<8192xf32, #tpu.memory_space<vmem>>, vector<16xf32>,
      %add3A_402 = arith.addf %get3A_397, %get3A_401 : vector<16xf32>
      %add3A_403 = arith.constant 1024 : i32
      %add3A_404 = arith.addi %add3A_403, %mul3A_396 : i32
      %get3A_405 = arith.index_cast %add3A_404 : i32 to index
      %get3A_406 = tpu.vector_load %arg11[%get3A_405] {strides = array<i32>} : memref<8192xf32, #tpu.memory_space<vmem>>, vector<16xf32>,
      %add3A_407 = arith.addf %add3A_402, %get3A_406 : vector<16xf32>
      %add3A_408 = arith.constant 1536 : i32
      %add3A_409 = arith.addi %add3A_408, %mul3A_396 : i32
      %get3A_410 = arith.index_cast %add3A_409 : i32 to index
      %get3A_411 = tpu.vector_load %arg11[%get3A_410] {strides = array<i32>} : memref<8192xf32, #tpu.memory_space<vmem>>, vector<16xf32>,
      %add3A_412 = arith.addf %add3A_407, %get3A_411 : vector<16xf32>
      %add3A_413 = arith.constant 2048 : i32
      %add3A_414 = arith.addi %add3A_413, %mul3A_396 : i32
      %get3A_415 = arith.index_cast %add3A_414 : i32 to index
      %get3A_416 = tpu.vector_load %arg11[%get3A_415] {strides = array<i32>} : memref<8192xf32, #tpu.memory_space<vmem>>, vector<16xf32>,
      %add3A_417 = arith.addf %add3A_412, %get3A_416 : vector<16xf32>
      %add3A_418 = arith.constant 2560 : i32
      %add3A_419 = arith.addi %add3A_418, %mul3A_396 : i32
      %get3A_420 = arith.index_cast %add3A_419 : i32 to index
      %get3A_421 = tpu.vector_load %arg11[%get3A_420] {strides = array<i32>} : memref<8192xf32, #tpu.memory_space<vmem>>, vector<16xf32>,
      %add3A_422 = arith.addf %add3A_417, %get3A_421 : vector<16xf32>
      %add3A_423 = arith.constant 3072 : i32
      %add3A_424 = arith.addi %add3A_423, %mul3A_396 : i32
      %get3A_425 = arith.index_cast %add3A_424 : i32 to index
      %get3A_426 = tpu.vector_load %arg11[%get3A_425] {strides = array<i32>} : memref<8192xf32, #tpu.memory_space<vmem>>, vector<16xf32>,
      %add3A_427 = arith.addf %add3A_422, %get3A_426 : vector<16xf32>
      %add3A_428 = arith.constant 3584 : i32
      %add3A_429 = arith.addi %add3A_428, %mul3A_396 : i32
      %get3A_430 = arith.index_cast %add3A_429 : i32 to index
      %get3A_431 = tpu.vector_load %arg11[%get3A_430] {strides = array<i32>} : memref<8192xf32, #tpu.memory_space<vmem>>, vector<16xf32>,
      %add3A_432 = arith.addf %add3A_427, %get3A_431 : vector<16xf32>
      %add3A_433 = arith.constant 4096 : i32
      %add3A_434 = arith.addi %add3A_433, %mul3A_396 : i32
      %get3A_435 = arith.index_cast %add3A_434 : i32 to index
      %get3A_436 = tpu.vector_load %arg11[%get3A_435] {strides = array<i32>} : memref<8192xf32, #tpu.memory_space<vmem>>, vector<16xf32>,
      %add3A_437 = arith.addf %add3A_432, %get3A_436 : vector<16xf32>
      %add3A_438 = arith.constant 4608 : i32
      %add3A_439 = arith.addi %add3A_438, %mul3A_396 : i32
      %get3A_440 = arith.index_cast %add3A_439 : i32 to index
      %get3A_441 = tpu.vector_load %arg11[%get3A_440] {strides = array<i32>} : memref<8192xf32, #tpu.memory_space<vmem>>, vector<16xf32>,
      %add3A_442 = arith.addf %add3A_437, %get3A_441 : vector<16xf32>
      %add3A_443 = arith.constant 5120 : i32
      %add3A_444 = arith.addi %add3A_443, %mul3A_396 : i32
      %get3A_445 = arith.index_cast %add3A_444 : i32 to index
      %get3A_446 = tpu.vector_load %arg11[%get3A_445] {strides = array<i32>} : memref<8192xf32, #tpu.memory_space<vmem>>, vector<16xf32>,
      %add3A_447 = arith.addf %add3A_442, %get3A_446 : vector<16xf32>
      %add3A_448 = arith.constant 5632 : i32
      %add3A_449 = arith.addi %add3A_448, %mul3A_396 : i32
      %get3A_450 = arith.index_cast %add3A_449 : i32 to index
      %get3A_451 = tpu.vector_load %arg11[%get3A_450] {strides = array<i32>} : memref<8192xf32, #tpu.memory_space<vmem>>, vector<16xf32>,
      %add3A_452 = arith.addf %add3A_447, %get3A_451 : vector<16xf32>
      %add3A_453 = arith.constant 6144 : i32
      %add3A_454 = arith.addi %add3A_453, %mul3A_396 : i32
      %get3A_455 = arith.index_cast %add3A_454 : i32 to index
      %get3A_456 = tpu.vector_load %arg11[%get3A_455] {strides = array<i32>} : memref<8192xf32, #tpu.memory_space<vmem>>, vector<16xf32>,
      %add3A_457 = arith.addf %add3A_452, %get3A_456 : vector<16xf32>
      %add3A_458 = arith.constant 6656 : i32
      %add3A_459 = arith.addi %add3A_458, %mul3A_396 : i32
      %get3A_460 = arith.index_cast %add3A_459 : i32 to index
      %get3A_461 = tpu.vector_load %arg11[%get3A_460] {strides = array<i32>} : memref<8192xf32, #tpu.memory_space<vmem>>, vector<16xf32>,
      %add3A_462 = arith.addf %add3A_457, %get3A_461 : vector<16xf32>
      %add3A_463 = arith.constant 7168 : i32
      %add3A_464 = arith.addi %add3A_463, %mul3A_396 : i32
      %get3A_465 = arith.index_cast %add3A_464 : i32 to index
      %get3A_466 = tpu.vector_load %arg11[%get3A_465] {strides = array<i32>} : memref<8192xf32, #tpu.memory_space<vmem>>, vector<16xf32>,
      %add3A_467 = arith.addf %add3A_462, %get3A_466 : vector<16xf32>
      %add3A_468 = arith.constant 7680 : i32
      %add3A_469 = arith.addi %add3A_468, %mul3A_396 : i32
      %get3A_470 = arith.index_cast %add3A_469 : i32 to index
      %get3A_471 = tpu.vector_load %arg11[%get3A_470] {strides = array<i32>} : memref<8192xf32, #tpu.memory_space<vmem>>, vector<16xf32>,
      %add3A_472 = arith.addf %add3A_467, %get3A_471 : vector<16xf32>
      %swap3A = arith.index_cast %mul3A_396 : i32 to index
      %swap3A_473 = tpu.vector_load %arg12[%swap3A] {strides = array<i32>} : memref<512xf32, #tpu.memory_space<vmem>>, vector<16xf32>,
      tpu.vector_store %arg12[%swap3A], %add3A_472 {strides = array<i32>} : memref<512xf32, #tpu.memory_space<vmem>>, vector<16xf32>,
    }
    %mul3A_392 = arith.constant 512 : i32
    %mul3A_393 = arith.muli %add3A, %mul3A_392 : i32
    "tpu.region"() ({
      %run_scoped3A = tpu.sem_alloc : memref<!tpu.dma_semaphore, #tpu.memory_space<semaphore_mem>>
      %dma_start3A_394 = tpu.memref_slice %arg6[%mul3A_393] : memref<16384xf32, #tpu.memory_space<hbm>> -> memref<512xf32, #tpu.memory_space<hbm>>
      %dma_start3A_395 = tpu.memref_slice %arg6[%mul3A_393] : memref<16384xf32, #tpu.memory_space<hbm>> -> memref<512xf32, #tpu.memory_space<hbm>>
      tpu.enqueue_dma source(%arg12 : memref<512xf32, #tpu.memory_space<vmem>>) target(%dma_start3A_395 : memref<512xf32, #tpu.memory_space<hbm>>) target_semaphore(%run_scoped3A : memref<!tpu.dma_semaphore, #tpu.memory_space<semaphore_mem>>)
      %dma_wait3A_396 = tpu.memref_slice %arg6[%mul3A_393] : memref<16384xf32, #tpu.memory_space<hbm>> -> memref<512xf32, #tpu.memory_space<hbm>>
      %dma_wait3A_397 = tpu.memref_slice %arg6[%mul3A_393] : memref<16384xf32, #tpu.memory_space<hbm>> -> memref<512xf32, #tpu.memory_space<hbm>>
      tpu.wait_dma2 semaphore(%run_scoped3A : memref<!tpu.dma_semaphore, #tpu.memory_space<semaphore_mem>>) src(%arg12 : memref<512xf32, #tpu.memory_space<vmem>>) dst(%dma_wait3A_397 : memref<512xf32, #tpu.memory_space<hbm>>)
      tpu.yield
    }) : () -> ()
    return
  }
}

</mosaic_0001>

<sc_bundles>
// kernel: kernel.3.cloned.1.call-start
scs
__scs_entry_jumppad:
0x0: {  	(pc) =	sbr.rel $0x88, $3  }
0x1: {  	(tag) =	ssettag $0x0;
	lr =	simm.s32 $0x1  }
0x2: {  	[smem:$0x3F9D] =	sst lr;
	_ =	strace $0xD0000000  }
0x3: {  	_ = 	snop  }
0x4: {  	_ = 	snop  }
0x5: {  	_ = 	snop  }
0x6: {  	_ = 	snop  }
0x7: {  	_ = 	snop  }
__scs_overlays_trampoline_lowered:
0x8: {  	[smem:$0x3FAC] =	sst s0  }
0x9: {  	[smem:$0x3FAD] =	sst s1  }
0xa: {  	[smem:$0x3FAE] =	sst s2  }
0xb: {  	[smem:$0x3FAF] =	sst s3  }
0xc: {  	[smem:$0x3FB0] =	sst s4  }
0xd: {  	[smem:$0x3FB1] =	sst s5  }
0xe: {  	[smem:$0x3FB2] =	sst s6  }
0xf: {  	[smem:$0x3FB3] =	sst s7  }
0x10: {  	[smem:$0x3FB4] =	sst s8  }
0x11: {  	[smem:$0x3FB5] =	sst s9;
	s0 =	simm.s32 @!p0 $0x0  }
0x12: {  	s1 =	sld [smem:$0x3F9B];
	s0 =	simm.s32 @p0 $0x1  }
0x13: {  	[smem:$0x3FB6] =	sst s0;
	s0 =	simm.s32 @!p1 $0x0  }
0x14: {  	s2 =	sld [smem:$0x3F9A];
	s0 =	simm.s32 @p1 $0x1  }
0x15: {  	[smem:$0x3FB7] =	sst s0;
	s0 =	simm.s32 @!p2 $0x0  }
0x16: {  	s3 =	sld [smem:$0x3FDB];
	s0 =	simm.s32 @p2 $0x1  }
0x17: {  	s4 =	simm.s32 $0x1BF5;
	[smem:$0x3FB9] =	sst s0  }
0x18: {  	s0 =	sld [smem:$0x3F9C];
	_ =	swait.ge [sflag:s4], $0x0  }
0x19: {  	s7 =	sld [smem:$0x3F9D]  }
0x1a: {  	s8 =	sadd.s32 $0xFFFFE003, lr  }
0x1b: {  	s9 =	sadd.s32 $0xFFFFFEF7, lr;
	s5 =	simm.s32 $0xFFFFFFFF;
	p2 =	slt.u32 s8, $0xFFFFF086  }
0x1c: {  	p1 =	slt.u32 s9, $0xF7A;
	s5 =	simm.s32 @!p2 $0x0  }
0x1d: {  	s5 =	simm.s32 @p1 $0x1;
	p0 =	seq.s32 s7, s2  }
0x1e: {  	s7 =	smul.u32 @!p0 $0xF7A, s2;
	p2 =	seq.s32 @!p0 s5, $0x0  }
0x1f: {  	s9 =	smul.u32 $0xF7A, s1;
	s8 =	simm.s32 @!p0 $0x1BF5;
	p2 =	por !p2, p0  }
0x20: {  	[sflag:s8] =	ssyncset.s32 @!p0 $0xFFFFF086;
	s6 =	sadd.s32 @!p0 s3, s7;
	s7 =	simm.s32 @!p0 $0x108  }
0x21: {  	s3 =	sadd.s32 s3, s9;
	s6 =	sadd.s32 @!p0 $0x88, s6;
	s7 =	simm.s32 @p2 $0x1082  }
0x22: {  	[simem:s7], [sflag:s8] =	dma.local @!p0 [hbm:s6], $0xF7A  }
0x23: {  	s9 =	sor.u32 $0xD0000000, s2;
	s6 =	simm.s32 $0x108;
	_ =	swait.ge @!p0 [sflag:s8], $0x0  }
0x24: {  	s3 =	sadd.s32 $0x88, s3;
	s6 =	simm.s32 @!p1 $0x1082;
	[sflag:s4] =	ssyncset.s32 $0xFFFFF086  }
0x25: {  	[simem:s6], [sflag:s4] =	dma.local [hbm:s3], $0xF7A  }
0x26: {  	[smem:$0x3F9D] =	sst s1;
	(tag) =	ssettag s2;
	_ =	strace s9  }
0x27: {  	s1 =	sld [smem:$0x3FAD]  }
0x28: {  	s2 =	sld [smem:$0x3FAE]  }
0x29: {  	s4 =	sld [smem:$0x3FB0]  }
0x2a: {  	p0 =	seq.s32 s5, $0x0;
	s5 =	sld [smem:$0x3FB1]  }
0x2b: {  	s6 =	sld [smem:$0x3FB2]  }
0x2c: {  	s7 =	sld [smem:$0x3FB3]  }
0x2d: {  	s3 =	simm.s32 $0x108;
	s8 =	sld [smem:$0x3FB4]  }
0x2e: {  	s3 =	simm.s32 @!p0 $0x1082;
	s9 =	sld [smem:$0x3FB5]  }
0x2f: {  	lr =	sadd.s32 s0, s3;
	s0 =	sld [smem:$0x3FAC]  }
0x30: {  	s3 =	sld [smem:$0x3FAF]  }
0x31: {  	[smem:$0x3FB8] =	sst s10  }
0x32: {  	s10 =	sld [smem:$0x3FB6];
	_ =	sdelay $0x3  }
0x33: {  	p0 =	seq.s32 s10, $0x1;
	s10 =	sld [smem:$0x3FB8];
	_ =	sdelay $0x3  }
0x34: {  	[smem:$0x3FB8] =	sst s10  }
0x35: {  	s10 =	sld [smem:$0x3FB7];
	_ =	sdelay $0x3  }
0x36: {  	p1 =	seq.s32 s10, $0x1;
	s10 =	sld [smem:$0x3FB8];
	_ =	sdelay $0x3  }
0x37: {  	[smem:$0x3FB8] =	sst s10  }
0x38: {  	s10 =	sld [smem:$0x3FB9]  }
0x39: {  	_ = 	snop;
	(pc) =	sbr.ind lr, $3  }
0x3a: {  	_ = 	snop  }
0x3b: {  	_ = 	snop  }
0x3c: {  	p2 =	seq.s32 s10, $0x1;
	s10 =	sld [smem:$0x3FB8]  }
0x3d: {  	_ =	shalt  }
0x3e: {  	_ =	shalt  }
0x3f: {  	_ =	shalt  }
0x40: {  	_ =	shalt  }
0x41: {  	_ =	shalt  }
0x42: {  	_ =	shalt  }
0x43: {  	_ =	shalt  }
0x44: {  	_ =	shalt  }
0x45: {  	_ =	shalt  }
0x46: {  	_ =	shalt  }
0x47: {  	_ =	shalt  }
0x48: {  	_ =	shalt  }
0x49: {  	_ =	shalt  }
0x4a: {  	_ =	shalt  }
0x4b: {  	_ =	shalt  }
0x4c: {  	_ =	shalt  }
0x4d: {  	_ =	shalt  }
0x4e: {  	_ =	shalt  }
0x4f: {  	_ =	shalt  }
0x50: {  	_ =	shalt  }
0x51: {  	_ =	shalt  }
0x52: {  	_ =	shalt  }
0x53: {  	_ =	shalt  }
0x54: {  	_ =	shalt  }
0x55: {  	_ =	shalt  }
0x56: {  	_ =	shalt  }
0x57: {  	_ =	shalt  }
0x58: {  	_ =	shalt  }
0x59: {  	_ =	shalt  }
0x5a: {  	_ =	shalt  }
0x5b: {  	_ =	shalt  }
0x5c: {  	_ =	shalt  }
0x5d: {  	_ =	shalt  }
0x5e: {  	_ =	shalt  }
0x5f: {  	_ =	shalt  }
0x60: {  	_ =	shalt  }
0x61: {  	_ =	shalt  }
0x62: {  	_ =	shalt  }
0x63: {  	_ =	shalt  }
0x64: {  	_ =	shalt  }
0x65: {  	_ =	shalt  }
0x66: {  	_ =	shalt  }
0x67: {  	_ =	shalt  }
0x68: {  	_ =	shalt  }
0x69: {  	_ =	shalt  }
0x6a: {  	_ =	shalt  }
0x6b: {  	_ =	shalt  }
0x6c: {  	_ =	shalt  }
0x6d: {  	_ =	shalt  }
0x6e: {  	_ =	shalt  }
0x6f: {  	_ =	shalt  }
0x70: {  	_ =	shalt  }
0x71: {  	_ =	shalt  }
0x72: {  	_ =	shalt  }
0x73: {  	_ =	shalt  }
0x74: {  	_ =	shalt  }
0x75: {  	_ =	shalt  }
0x76: {  	_ =	shalt  }
0x77: {  	_ =	shalt  }
0x78: {  	_ =	shalt  }
0x79: {  	_ =	shalt  }
0x7a: {  	_ =	shalt  }
0x7b: {  	_ =	shalt  }
0x7c: {  	_ =	shalt  }
0x7d: {  	_ =	shalt  }
0x7e: {  	_ =	shalt  }
0x7f: {  	_ =	shalt  }
0x80: {  	_ =	shalt  }
0x81: {  	_ =	shalt  }
0x82: {  	_ =	shalt  }
0x83: {  	_ =	shalt  }
0x84: {  	_ =	shalt  }
0x85: {  	_ =	shalt  }
0x86: {  	_ =	shalt  }
0x87: {  	_ =	shalt  }
.Lfunc_end0:
.L_simem_size_0:
called_computation_lowered:
.L_overlay_start_0:
0x88: {  	s2 =	sld [smem:$0x3FD9]  }
0x89: {  	s3 =	sld [smem:$0x3FFE];
	_ =	sdelay $0x1  }
0x8a: {  	s1 =	srdreg.scid  }
0x8b: {  	s0 =	sand.u32 $0x1, s1  }
0x8c: {  	s16 =	sshll.u32 s0, $0xA;
	s2 =	sadd.s32 s3, s2  }
0x8d: {  	s2 =	sadd.s32 s2, s16  }
0x8e: {  	[smem:$0x3FC4] =	sst s2  }
0x8f: {  	_ = 	snop  }
0x90: {  	(tm) =	ssettm $0x1  }
0x91: {  	s17 =	sld [smem:$0x3FFB];
	_ =	sdelay $0x3  }
0x92: {  	_ =	strace s17  }
0x93: {  	s2 =	sld [smem:$0x3FFC];
	_ =	sdelay $0x3  }
0x94: {  	_ =	strace s2  }
0x95: {  	s2 =	sld [smem:$0x3FFD];
	_ =	sdelay $0x3  }
0x96: {  	_ =	strace s2  }
0x97: {  	_ =	strace $0x8FFFFFFF  }
0x98: {  	s18 =	sld [smem:$0x3FDB];
	_ =	sdelay $0x1  }
0x99: {  	s19 =	simm.s32 $_scs_section_size  }
0x9a: {  	s4 =	simm.s32 $_size__tile_overlayer_lowered;
	s5 =	simm.s32 $_tile_overlayer_lowered  }
0x9b: {  	s22 =	simm.s32 $0x1BFF;
	s21 =	sshll.u32 s5, $0x1;
	s2 =	sadd.s32 s19, s18  }
0x9c: {  	s6 =	simm.s32 $0x0;
	s20 =	sshll.u32 s4, $0x1;
	s4 =	sadd.s32 s21, s2  }
0x9d: {  	[timem:s6], [sflag:s22] =	dma.local [hbm:s4], s20  }
0x9e: {  	_ =	swait.ge [sflag:s22], s20  }
0x9f: {  	s3 =	ssub.s32 $0x0, s20;
	[sflag:s22] =	ssyncset.done $0x0  }
0xa0: {  	[sflag:s22] =	ssyncadd.s32 s3;
	_ =	sdelay $0x1  }
0xa1: {  	s23 =	simm.s32 $0x1B8B  }
0xa2: {  	_ =	swait.ge [sflag:s23], $0x1  }
0xa3: {  	[sflag:s23] =	ssyncset.done $0x0  }
0xa4: {  	s25 =	simm.s32 $0x1B8E;
	s24 =	sld [smem:$0x3FFE];
	[sflag:s23] =	ssyncadd.s32 $0xFFFFFFFF  }
0xa5: {  	s26 =	simm.s32 $execute0_lowered;
	[smem:$0x3FD2] =	sst s25  }
0xa6: {  	s4 =	sshll.u32 s26, $0x1;
	_ =	strace $0x80000046;
	[dreg:$0x1] =	wrdreg $0xFFFFFFFF  }
0xa7: {  	s28 =	simm.s32 $_size_execute0_lowered;
	s2 =	sadd.s32 s2, s4;
	[dreg:$0x0] =	wrdreg $0x0  }
0xa8: {  	s4 =	sshll.u32 s28, $0x1;
	[dreg:$0x2] =	wrdreg s2  }
0xa9: {  	[dreg:$0x3] =	wrdreg s4  }
0xaa: {  	[dreg:$0x4] =	wrdreg $0xC0  }
0xab: {  	_ =	task [dreg:s6], $0x5FFFF  }
0xac: {  	[dreg:$0x1] =	wrdreg $0xFFFFFFFF  }
0xad: {  	[dreg:$0x0] =	wrdreg $0x60  }
0xae: {  	[dreg:$0x2] =	wrdreg s24  }
0xaf: {  	[dreg:$0x3] =	wrdreg $0x9  }
0xb0: {  	_ =	task.clear_ibuf [dreg:s6], $0x4FFFF;
	_ =	strace $0x90000046  }
0xb1: {  	s29 =	simm.s32 $0x9;
	_ =	strace $0x80000048  }
0xb2: {  	_ =	swait.ge [sflag:s29], $0x1  }
0xb3: {  	[sflag:s29] =	ssyncadd.s32 $0xFFFFFFFF  }
0xb4: {  	_ =	strace $0x90000048  }
0xb5: {  	_ =	sfence  }
0xb6: {  	s30 =	sld [smem:$0x0];
	_ =	sdelay $0x2  }
0xb7: {  	s31 =	sshll.u32 s1, $0xD;
	s1 =	sshrl.u32 s1, $0x2  }
0xb8: {  	s3 =	sand.u32 $0x4000, s31;
	s1 =	sadd.s32 s1, s30  }
0xb9: {  	s0 =	sor.u32 s3, s0;
	s1 =	sshll.u32 s1, $0x11  }
0xba: {  	s0 =	sor.u32 s1, s0  }
0xbb: {  	s0 =	sadd.s32 $0x8F2B, s0  }
0xbc: {  	[sflag:s0] =	ssyncadd.remote.s32 $0x1  }
0xbd: {  	_ =	sfence.sel $0xFFFF  }
0xbe: {  	[dreg:$0x0] =	wrdreg $0xFFFFFFFF;
	(pc) =	sbr.abs _section_cstart, $3  }
0xbf: {  	[dreg:$0x1] =	wrdreg $0xFFFFFFFF  }
0xc0: {  	_ =	task.clear_ibuf [dreg:s6], $0x2FFFF;
	_ =	strace $0x9FFFFFFF  }
0xc1: {  	(tm) =	ssettm $0x7FFFFFFF  }
tec
execute0_lowered:
.L_overlay_start_1:
0x0: {  	(tag) =	ssettag $0x1  }
0x1: {  	s0 =	srdreg.scid;
	s1 =	stileid.u32  }
0x2: {  	s6 =	rddreg [dreg:$0x0];
	s2 =	simm.s32 $0x0;
	s9 =	simm.s32 $0x5  }
0x3: {  	s10 =	simm.s32 $0x80;
	s23 =	simm.s32 $0x380;
	s24 =	simm.s32 $0xE600  }
0x4: {  	s25 =	simm.s32 $0x400;
	s26 =	simm.s32 $0x10600;
	s28 =	simm.s32 $0x480  }
0x5: {  	s29 =	simm.s32 $0x12600;
	s30 =	simm.s32 $0x500;
	s31 =	simm.s32 $0x14600  }
0x6: {  	s11 =	simm.s32 $0x1;
	s12 =	simm.s32 $0x18600;
	s13 =	simm.s32 $0x2  }
0x7: {  	s14 =	simm.s32 $0x3;
	s15 =	simm.s32 $0x4;
	s16 =	simm.s32 $0x1A600  }
0x8: {  	s17 =	simm.s32 $0x0;
	s0 =	sand.u32 $0x1, s0;
	s1 =	sshll.u32 s1, $0x1  }
0x9: {  	[smem:$0x7FF] =	sst s2;
	s4 =	sadd.s32 $0xC3A00, s6;
	s1 =	sor.u32 s0, s1  }
0xa: {  	s5 =	sadd.s32 $0x400, s6;
	s0 =	ssub.s32 $0x2, s0;
	s3 =	smul.u32 $0xC0, s1  }
0xb: {  	_ =	strace $0x80000047;
	s1 =	sshll.u32 s1, $0x6;
	s8 =	sshrl.u32 s0, $0x1  }
0xc: {  	s1 =	sadd.s32 s1, s6;
	s0 =	ssub.s32 s0, s8;
	s7 =	sadd.s32 s3, s6  }
0xd: {  	v0 =	vlaneseq.u32;
	s3 =	sadd.s32 $0x187000, s6;
	s8 =	smax.u32 s0, $0x1;
	s6 =	sadd.s32 $0x24A600, s7  }
0xe: {  	v0 =	vmul.u32 $0x200, v0;
	s0 =	simm.s32 $0x16600;
	s7 =	sadd.s32 $0x24BE00, s1;
	s1 =	simm.s32 $0x580  }
.LBB2_1:
0xf: {  	[tilespmem:s2], [sflag:$0x5] =	stream.linear.gather [hbm4b:s6+s2], $0x600, $0x38;
	[tilespmem:$0x1A800] =	vst v63  }
0x10: {  	_ =	swait.ge [sflag:s9], $0x600  }
0x11: {  	[sflag:s9] =	ssyncset.done $0x0  }
0x12: {  	s18 =	simm.s32 $0x600;
	[sflag:s9] =	ssyncadd.s32 $0xFFFFFA00  }
0x13: {  	[tilespmem:s18], [sflag:$0x1] =	stream.indirect.gather [hbm4b:s3+s10], $0x40, s2, s10, $0xb8;
	[tilespmem:$0x1A800] =	vst v63  }
0x14: {  	s21 =	simm.s32 $0x2600  }
0x15: {  	[tilespmem:s21], [sflag:$0x2] =	stream.indirect.gather [hbm4b:s3+s10], $0x40, s10, s10, $0xb8;
	[tilespmem:$0x1A800] =	vst v63  }
0x16: {  	s22 =	simm.s32 $0x100;
	s19 =	simm.s32 $0x4600  }
0x17: {  	[tilespmem:s19], [sflag:$0x3] =	stream.indirect.gather [hbm4b:s3+s10], $0x40, s22, s10, $0xb8;
	[tilespmem:$0x1A800] =	vst v63  }
0x18: {  	s20 =	simm.s32 $0x6600;
	s19 =	simm.s32 $0x180  }
0x19: {  	[tilespmem:s20], [sflag:$0x4] =	stream.indirect.gather [hbm4b:s3+s10], $0x40, s19, s10, $0xb8;
	[tilespmem:$0x1A800] =	vst v63  }
0x1a: {  	s21 =	simm.s32 $0x200;
	s22 =	simm.s32 $0x8600  }
0x1b: {  	[tilespmem:s22], [sflag:$0x1] =	stream.indirect.gather [hbm4b:s4+s10], $0x40, s21, s10, $0xb8;
	[tilespmem:$0x1A800] =	vst v63  }
0x1c: {  	s19 =	simm.s32 $0x280;
	s20 =	simm.s32 $0xA600  }
0x1d: {  	[tilespmem:s20], [sflag:$0x2] =	stream.indirect.gather [hbm4b:s4+s10], $0x40, s19, s10, $0xb8;
	[tilespmem:$0x1A800] =	vst v63  }
0x1e: {  	s21 =	simm.s32 $0x300;
	s22 =	simm.s32 $0xC600  }
0x1f: {  	[tilespmem:s22], [sflag:$0x3] =	stream.indirect.gather [hbm4b:s4+s10], $0x40, s21, s10, $0xb8;
	[tilespmem:$0x1A800] =	vst v63  }
0x20: {  	_ = 	snop  }
0x21: {  	[tilespmem:s24], [sflag:$0x4] =	stream.indirect.gather [hbm4b:s4+s10], $0x40, s23, s10, $0xb8;
	[tilespmem:$0x1A800] =	vst v63  }
0x22: {  	_ = 	snop  }
0x23: {  	[tilespmem:s26], [sflag:$0x1] =	stream.indirect.gather [hbm4b:s5+s10], $0x40, s25, s10, $0xb8;
	[tilespmem:$0x1A800] =	vst v63  }
0x24: {  	_ = 	snop  }
0x25: {  	[tilespmem:s29], [sflag:$0x2] =	stream.indirect.gather [hbm4b:s5+s10], $0x40, s28, s10, $0xb8;
	[tilespmem:$0x1A800] =	vst v63  }
0x26: {  	_ = 	snop  }
0x27: {  	[tilespmem:s31], [sflag:$0x3] =	stream.indirect.gather [hbm4b:s5+s10], $0x40, s30, s10, $0xb8;
	[tilespmem:$0x1A800] =	vst v63  }
0x28: {  	_ = 	snop  }
0x29: {  	[tilespmem:s0], [sflag:$0x4] =	stream.indirect.gather [hbm4b:s5+s10], $0x40, s1, s10, $0xb8;
	[tilespmem:$0x1A800] =	vst v63  }
0x2a: {  	_ =	swait.ge [sflag:s11], $0x2000  }
0x2b: {  	[sflag:s11] =	ssyncset.done $0x0  }
0x2c: {  	[sflag:s11] =	ssyncadd.s32 $0xFFFFE000  }
0x2d: {  	_ =	swait.ge [sflag:s11], $0x2000  }
0x2e: {  	[sflag:s11] =	ssyncset.done $0x0  }
0x2f: {  	[sflag:s11] =	ssyncadd.s32 $0xFFFFE000  }
0x30: {  	_ =	swait.ge [sflag:s11], $0x2000  }
0x31: {  	[sflag:s11] =	ssyncset.done $0x0  }
0x32: {  	s18 =	simm.s32 $0x10620;
	[sflag:s11] =	ssyncadd.s32 $0xFFFFE000  }
0x33: {  	v1 =	vld [tilespmem:s18+$0x0]  }
0x34: {  	s20 =	simm.s32 $0x620;
	v2 =	vld [tilespmem:s18+$0xFFFFFFE0]  }
0x35: {  	s21 =	simm.s32 $0x8620;
	v3 =	vld [tilespmem:s20+$0x0]  }
0x36: {  	v4 =	vld [tilespmem:s21+$0xFFFFFFE0]  }
0x37: {  	v5 =	vld [tilespmem:s20+$0xFFFFFFE0]  }
0x38: {  	v6 =	vld [tilespmem:s20+$0xFFFFFFF0]  }
0x39: {  	s19 =	simm.s32 $0x0;
	s22 =	simm.s32 $0x1;
	v7 =	vld [tilespmem:s21+$0xFFFFFFF0]  }
.LBB2_2:
0x3a: {  	p0 =	sne.s32 s22, $0x7F;
	v8 =	vld [tilespmem:s21+$0x0]  }
0x3b: {  	v9 =	vld [tilespmem:s18+$0xFFFFFFF0]  }
0x3c: {  	v10 =	vld [tilespmem:s20+$0x10]  }
0x3d: {  	v11 =	vld [tilespmem:s21+$0x10]  }
0x3e: {  	v4 =	vmul.f32 v4, v5;
	v5 =	vmul.f32 v7, v6  }
0x3f: {  	v3 =	vmul.f32 v8, v3;
	v6 =	vld [tilespmem:s18+$0x10]  }
0x40: {  	v2 =	vmul.f32 v2, v4;
	v4 =	vmul.f32 v9, v5;
	_ =	sdelay $0x1  }
0x41: {  	v1 =	vmul.f32 v1, v3;
	v2 =	vadd.f32 v4, v2;
	v3 =	vmul.f32 v11, v10  }
0x42: {  	v4 =	vor.u32 s19, v0;
	s19 =	smov.u32 s22  }
0x43: {  	v1 =	vadd.f32 v1, v2;
	v2 =	vmul.f32 v6, v3;
	_ =	sdelay $0x1  }
0x44: {  	v1 =	vadd.f32 v2, v1;
	_ =	sdelay $0x1  }
0x45: {  	s18 =	sadd.s32 $0x40, s18;
	[tilespmem:v4+s12+$0x0] =	vst.idx.msk $0xffff, v1  }
0x46: {  	v1 =	vld [tilespmem:s18+$0x0]  }
0x47: {  	s20 =	sadd.s32 $0x40, s20;
	v2 =	vld [tilespmem:s18+$0xFFFFFFE0]  }
.Ltmp0:
0x48: {  	s21 =	sadd.s32 $0x40, s21;
	v3 =	vld [tilespmem:s20+$0x0];
	(pc) =	sbr.rel @p0 .LBB2_2-.Ltmp0, $4  }
0x49: {  	v4 =	vld [tilespmem:s21+$0xFFFFFFE0]  }
0x4a: {  	v5 =	vld [tilespmem:s20+$0xFFFFFFE0]  }
0x4b: {  	v6 =	vld [tilespmem:s20+$0xFFFFFFF0]  }
0x4c: {  	s22 =	sadd.s32 $0x1, s22;
	v7 =	vld [tilespmem:s21+$0xFFFFFFF0]  }
0x4d: {  	v8 =	vld [tilespmem:s21+$0x0]  }
0x4e: {  	v9 =	vld [tilespmem:s18+$0xFFFFFFF0]  }
0x4f: {  	v10 =	vld [tilespmem:s20+$0x10]  }
0x50: {  	v11 =	vld [tilespmem:s21+$0x10];
	v4 =	vmul.f32 v4, v5  }
0x51: {  	v5 =	vmul.f32 v7, v6  }
0x52: {  	v6 =	vld [tilespmem:s18+$0x10];
	v2 =	vmul.f32 v2, v4  }
0x53: {  	v3 =	vmul.f32 v8, v3;
	v4 =	vmul.f32 v9, v5;
	_ =	sdelay $0x1  }
0x54: {  	v1 =	vmul.f32 v1, v3;
	v3 =	vmul.f32 v11, v10;
	v2 =	vadd.f32 v4, v2  }
0x55: {  	v4 =	vor.u32 s19, v0  }
0x56: {  	v1 =	vadd.f32 v1, v2;
	v2 =	vmul.f32 v6, v3;
	_ =	sdelay $0x1  }
0x57: {  	v1 =	vadd.f32 v2, v1;
	_ =	sdelay $0x1  }
0x58: {  	[tilespmem:v4+s12+$0x0] =	vst.idx.msk $0xffff, v1  }
0x59: {  	_ =	swait.ge [sflag:s13], $0x2000  }
0x5a: {  	[sflag:s13] =	ssyncset.done $0x0  }
0x5b: {  	[sflag:s13] =	ssyncadd.s32 $0xFFFFE000  }
0x5c: {  	_ =	swait.ge [sflag:s13], $0x2000  }
0x5d: {  	[sflag:s13] =	ssyncset.done $0x0  }
0x5e: {  	[sflag:s13] =	ssyncadd.s32 $0xFFFFE000  }
0x5f: {  	_ =	swait.ge [sflag:s13], $0x2000  }
0x60: {  	[sflag:s13] =	ssyncset.done $0x0  }
0x61: {  	s18 =	simm.s32 $0x12630;
	[sflag:s13] =	ssyncadd.s32 $0xFFFFE000  }
0x62: {  	v1 =	vld [tilespmem:s18+$0xFFFFFFF0]  }
0x63: {  	s20 =	simm.s32 $0x2630;
	v2 =	vld [tilespmem:s18+$0xFFFFFFD0]  }
0x64: {  	s21 =	simm.s32 $0xA630;
	v3 =	vld [tilespmem:s20+$0xFFFFFFF0]  }
0x65: {  	v4 =	vld [tilespmem:s21+$0xFFFFFFD0]  }
0x66: {  	v5 =	vld [tilespmem:s20+$0xFFFFFFD0]  }
0x67: {  	v6 =	vld [tilespmem:s20+$0xFFFFFFE0]  }
0x68: {  	s22 =	simm.s32 $0x81;
	s19 =	simm.s32 $0x80;
	v7 =	vld [tilespmem:s21+$0xFFFFFFE0]  }
.LBB2_4:
0x69: {  	p0 =	sne.s32 s22, $0xFF;
	v8 =	vld [tilespmem:s21+$0xFFFFFFF0]  }
0x6a: {  	v9 =	vld [tilespmem:s18+$0xFFFFFFE0]  }
0x6b: {  	v10 =	vld [tilespmem:s20+$0x0]  }
0x6c: {  	v11 =	vld [tilespmem:s21+$0x0]  }
0x6d: {  	v4 =	vmul.f32 v4, v5;
	v5 =	vmul.f32 v7, v6  }
0x6e: {  	v3 =	vmul.f32 v8, v3;
	v6 =	vld [tilespmem:s18+$0x0]  }
0x6f: {  	v2 =	vmul.f32 v2, v4;
	v4 =	vmul.f32 v9, v5;
	_ =	sdelay $0x1  }
0x70: {  	v1 =	vmul.f32 v1, v3;
	v2 =	vadd.f32 v4, v2;
	v3 =	vmul.f32 v11, v10  }
0x71: {  	v4 =	vor.u32 s19, v0;
	s19 =	smov.u32 s22  }
0x72: {  	v1 =	vadd.f32 v1, v2;
	v2 =	vmul.f32 v6, v3;
	_ =	sdelay $0x1  }
0x73: {  	v1 =	vadd.f32 v2, v1;
	_ =	sdelay $0x1  }
0x74: {  	s18 =	sadd.s32 $0x40, s18;
	[tilespmem:v4+s12+$0x0] =	vst.idx.msk $0xffff, v1  }
0x75: {  	v1 =	vld [tilespmem:s18+$0xFFFFFFF0]  }
0x76: {  	s20 =	sadd.s32 $0x40, s20;
	v2 =	vld [tilespmem:s18+$0xFFFFFFD0]  }
.Ltmp1:
0x77: {  	s21 =	sadd.s32 $0x40, s21;
	v3 =	vld [tilespmem:s20+$0xFFFFFFF0];
	(pc) =	sbr.rel @p0 .LBB2_4-.Ltmp1, $4  }
0x78: {  	v4 =	vld [tilespmem:s21+$0xFFFFFFD0]  }
0x79: {  	v5 =	vld [tilespmem:s20+$0xFFFFFFD0]  }
0x7a: {  	v6 =	vld [tilespmem:s20+$0xFFFFFFE0]  }
0x7b: {  	s22 =	sadd.s32 $0x1, s22;
	v7 =	vld [tilespmem:s21+$0xFFFFFFE0]  }
0x7c: {  	v8 =	vld [tilespmem:s21+$0xFFFFFFF0]  }
0x7d: {  	v9 =	vld [tilespmem:s18+$0xFFFFFFE0]  }
0x7e: {  	v10 =	vld [tilespmem:s20+$0x0]  }
0x7f: {  	v11 =	vld [tilespmem:s21+$0x0];
	v4 =	vmul.f32 v4, v5  }
0x80: {  	v5 =	vmul.f32 v7, v6  }
0x81: {  	v6 =	vld [tilespmem:s18+$0x0];
	v2 =	vmul.f32 v2, v4  }
0x82: {  	v3 =	vmul.f32 v8, v3;
	v4 =	vmul.f32 v9, v5;
	_ =	sdelay $0x1  }
0x83: {  	v1 =	vmul.f32 v1, v3;
	v3 =	vmul.f32 v11, v10;
	v2 =	vadd.f32 v4, v2  }
0x84: {  	v4 =	vor.u32 s19, v0  }
0x85: {  	v1 =	vadd.f32 v1, v2;
	v2 =	vmul.f32 v6, v3;
	_ =	sdelay $0x1  }
0x86: {  	v1 =	vadd.f32 v2, v1;
	_ =	sdelay $0x1  }
0x87: {  	[tilespmem:v4+s12+$0x0] =	vst.idx.msk $0xffff, v1  }
0x88: {  	_ =	swait.ge [sflag:s14], $0x2000  }
0x89: {  	[sflag:s14] =	ssyncset.done $0x0  }
0x8a: {  	[sflag:s14] =	ssyncadd.s32 $0xFFFFE000  }
0x8b: {  	_ =	swait.ge [sflag:s14], $0x2000  }
0x8c: {  	[sflag:s14] =	ssyncset.done $0x0  }
0x8d: {  	[sflag:s14] =	ssyncadd.s32 $0xFFFFE000  }
0x8e: {  	_ =	swait.ge [sflag:s14], $0x2000  }
0x8f: {  	[sflag:s14] =	ssyncset.done $0x0  }
0x90: {  	s22 =	simm.s32 $0x0;
	[sflag:s14] =	ssyncadd.s32 $0xFFFFE000  }
0x91: {  	v1 =	vld [tilespmem:s22+$0x14620]  }
0x92: {  	v2 =	vld [tilespmem:s22+$0x14600]  }
0x93: {  	v3 =	vld [tilespmem:s22+$0x4620]  }
0x94: {  	v4 =	vld [tilespmem:s22+$0xC600]  }
0x95: {  	v5 =	vld [tilespmem:s22+$0x4600]  }
0x96: {  	v6 =	vld [tilespmem:s22+$0x4610]  }
0x97: {  	v7 =	vld [tilespmem:s22+$0xC610]  }
0x98: {  	v8 =	vld [tilespmem:s22+$0xC620]  }
0x99: {  	v61 =	vld [tilespmem:s22+$0x14610]  }
0x9a: {  	v62 =	vld [tilespmem:s22+$0x4630]  }
0x9b: {  	v63 =	vld [tilespmem:s22+$0xC630]  }
0x9c: {  	v4 =	vmul.f32 v4, v5;
	v5 =	vmul.f32 v7, v6  }
0x9d: {  	v3 =	vmul.f32 v8, v3;
	v6 =	vld [tilespmem:s22+$0x14630]  }
0x9e: {  	v2 =	vmul.f32 v2, v4;
	v4 =	vmul.f32 v61, v5;
	_ =	sdelay $0x1  }
0x9f: {  	s18 =	simm.s32 $0x100;
	v1 =	vmul.f32 v1, v3;
	v3 =	vmul.f32 v63, v62;
	v2 =	vadd.f32 v4, v2  }
0xa0: {  	v4 =	vor.u32 s18, v0  }
0xa1: {  	v1 =	vadd.f32 v1, v2;
	v2 =	vmul.f32 v6, v3;
	_ =	sdelay $0x1  }
0xa2: {  	v1 =	vadd.f32 v2, v1;
	_ =	sdelay $0x1  }
0xa3: {  	s20 =	simm.s32 $0x40;
	[tilespmem:v4+s12+$0x0] =	vst.idx.msk $0xffff, v1  }
0xa4: {  	v1 =	vld [tilespmem:s20+$0x14620]  }
0xa5: {  	v2 =	vld [tilespmem:s20+$0x14600]  }
0xa6: {  	v3 =	vld [tilespmem:s20+$0x4620]  }
0xa7: {  	v4 =	vld [tilespmem:s20+$0xC600]  }
0xa8: {  	v5 =	vld [tilespmem:s20+$0x4600]  }
0xa9: {  	s19 =	simm.s32 $0x200;
	v6 =	vld [tilespmem:s20+$0x4610]  }
.LBB2_6:
0xaa: {  	p0 =	sne.s32 s19, $0x7F00;
	v7 =	vld [tilespmem:s20+$0xC610]  }
0xab: {  	v8 =	vld [tilespmem:s20+$0xC620]  }
0xac: {  	v9 =	vld [tilespmem:s20+$0x14610]  }
0xad: {  	v10 =	vld [tilespmem:s20+$0x4630]  }
0xae: {  	v11 =	vld [tilespmem:s20+$0xC630]  }
0xaf: {  	v4 =	vmul.f32 v4, v5;
	v5 =	vmul.f32 v7, v6  }
0xb0: {  	v3 =	vmul.f32 v8, v3;
	v6 =	vld [tilespmem:s20+$0x14630]  }
0xb1: {  	v2 =	vmul.f32 v2, v4;
	v4 =	vmul.f32 v9, v5;
	_ =	sdelay $0x1  }
0xb2: {  	s18 =	sadd.s32 $0x1, s18;
	v1 =	vmul.f32 v1, v3;
	v2 =	vadd.f32 v4, v2;
	v3 =	vmul.f32 v11, v10  }
0xb3: {  	v4 =	vor.u32 s18, v0  }
0xb4: {  	v1 =	vadd.f32 v1, v2;
	v2 =	vmul.f32 v6, v3;
	_ =	sdelay $0x1  }
0xb5: {  	v1 =	vadd.f32 v2, v1;
	_ =	sdelay $0x1  }
0xb6: {  	s20 =	sshra.s32 s19, $0x2;
	[tilespmem:v4+s12+$0x0] =	vst.idx.msk $0xffff, v1  }
0xb7: {  	v1 =	vld [tilespmem:s20+$0x14620]  }
.Ltmp2:
0xb8: {  	v2 =	vld [tilespmem:s20+$0x14600];
	(pc) =	sbr.rel @p0 .LBB2_6-.Ltmp2, $4  }
0xb9: {  	v3 =	vld [tilespmem:s20+$0x4620]  }
0xba: {  	v4 =	vld [tilespmem:s20+$0xC600]  }
0xbb: {  	v5 =	vld [tilespmem:s20+$0x4600]  }
0xbc: {  	s19 =	sadd.s32 $0x100, s19;
	v6 =	vld [tilespmem:s20+$0x4610]  }
0xbd: {  	v7 =	vld [tilespmem:s20+$0xC610]  }
0xbe: {  	v8 =	vld [tilespmem:s20+$0xC620]  }
0xbf: {  	v9 =	vld [tilespmem:s20+$0x14610]  }
0xc0: {  	v10 =	vld [tilespmem:s20+$0x4630]  }
0xc1: {  	v11 =	vld [tilespmem:s20+$0xC630]  }
0xc2: {  	v4 =	vmul.f32 v4, v5;
	v5 =	vmul.f32 v7, v6  }
0xc3: {  	v3 =	vmul.f32 v8, v3;
	v6 =	vld [tilespmem:s20+$0x14630]  }
0xc4: {  	v2 =	vmul.f32 v2, v4;
	v4 =	vmul.f32 v9, v5;
	_ =	sdelay $0x1  }
0xc5: {  	s18 =	sadd.s32 $0x1, s18;
	v1 =	vmul.f32 v1, v3;
	v3 =	vmul.f32 v11, v10;
	v2 =	vadd.f32 v4, v2  }
0xc6: {  	v4 =	vor.u32 s18, v0  }
0xc7: {  	v1 =	vadd.f32 v1, v2;
	v2 =	vmul.f32 v6, v3;
	_ =	sdelay $0x1  }
0xc8: {  	v1 =	vadd.f32 v2, v1;
	_ =	sdelay $0x1  }
0xc9: {  	[tilespmem:v4+s12+$0x0] =	vst.idx.msk $0xffff, v1  }
0xca: {  	_ =	swait.ge [sflag:s15], $0x2000  }
0xcb: {  	[sflag:s15] =	ssyncset.done $0x0  }
0xcc: {  	[sflag:s15] =	ssyncadd.s32 $0xFFFFE000  }
0xcd: {  	_ =	swait.ge [sflag:s15], $0x2000  }
0xce: {  	[sflag:s15] =	ssyncset.done $0x0  }
0xcf: {  	[sflag:s15] =	ssyncadd.s32 $0xFFFFE000  }
0xd0: {  	_ =	swait.ge [sflag:s15], $0x2000  }
0xd1: {  	[sflag:s15] =	ssyncset.done $0x0  }
0xd2: {  	s18 =	simm.s32 $0x0;
	[sflag:s15] =	ssyncadd.s32 $0xFFFFE000  }
0xd3: {  	v1 =	vld [tilespmem:s18+$0x16620]  }
0xd4: {  	v2 =	vld [tilespmem:s18+$0x16600]  }
0xd5: {  	v3 =	vld [tilespmem:s18+$0x6620]  }
0xd6: {  	v4 =	vld [tilespmem:s18+$0xE600]  }
0xd7: {  	v5 =	vld [tilespmem:s18+$0x6600]  }
0xd8: {  	v6 =	vld [tilespmem:s18+$0x6610]  }
0xd9: {  	v7 =	vld [tilespmem:s18+$0xE610]  }
0xda: {  	v8 =	vld [tilespmem:s18+$0xE620]  }
0xdb: {  	v61 =	vld [tilespmem:s18+$0x16610]  }
0xdc: {  	v62 =	vld [tilespmem:s18+$0x6630]  }
0xdd: {  	v63 =	vld [tilespmem:s18+$0xE630]  }
0xde: {  	v4 =	vmul.f32 v4, v5;
	v5 =	vmul.f32 v7, v6  }
0xdf: {  	v3 =	vmul.f32 v8, v3;
	v6 =	vld [tilespmem:s18+$0x16630]  }
0xe0: {  	v2 =	vmul.f32 v2, v4;
	v4 =	vmul.f32 v61, v5;
	_ =	sdelay $0x1  }
0xe1: {  	s19 =	simm.s32 $0x180;
	v1 =	vmul.f32 v1, v3;
	v3 =	vmul.f32 v63, v62;
	v2 =	vadd.f32 v4, v2  }
0xe2: {  	v4 =	vor.u32 s19, v0  }
0xe3: {  	v1 =	vadd.f32 v1, v2;
	v2 =	vmul.f32 v6, v3;
	_ =	sdelay $0x1  }
0xe4: {  	v1 =	vadd.f32 v2, v1;
	_ =	sdelay $0x1  }
0xe5: {  	s21 =	simm.s32 $0x40;
	[tilespmem:v4+s12+$0x0] =	vst.idx.msk $0xffff, v1  }
0xe6: {  	v1 =	vld [tilespmem:s21+$0x16620]  }
0xe7: {  	v2 =	vld [tilespmem:s21+$0x16600]  }
0xe8: {  	v3 =	vld [tilespmem:s21+$0x6620]  }
0xe9: {  	v4 =	vld [tilespmem:s21+$0xE600]  }
0xea: {  	v5 =	vld [tilespmem:s21+$0x6600]  }
0xeb: {  	s20 =	simm.s32 $0x200;
	v6 =	vld [tilespmem:s21+$0x6610]  }
.LBB2_8:
0xec: {  	p0 =	sne.s32 s20, $0x7F00;
	v7 =	vld [tilespmem:s21+$0xE610]  }
0xed: {  	v8 =	vld [tilespmem:s21+$0xE620]  }
0xee: {  	v9 =	vld [tilespmem:s21+$0x16610]  }
0xef: {  	v10 =	vld [tilespmem:s21+$0x6630]  }
0xf0: {  	v11 =	vld [tilespmem:s21+$0xE630]  }
0xf1: {  	v4 =	vmul.f32 v4, v5;
	v5 =	vmul.f32 v7, v6  }
0xf2: {  	v3 =	vmul.f32 v8, v3;
	v6 =	vld [tilespmem:s21+$0x16630]  }
0xf3: {  	v2 =	vmul.f32 v2, v4;
	v4 =	vmul.f32 v9, v5;
	_ =	sdelay $0x1  }
0xf4: {  	s19 =	sadd.s32 $0x1, s19;
	v1 =	vmul.f32 v1, v3;
	v2 =	vadd.f32 v4, v2;
	v3 =	vmul.f32 v11, v10  }
0xf5: {  	v4 =	vor.u32 s19, v0  }
0xf6: {  	v1 =	vadd.f32 v1, v2;
	v2 =	vmul.f32 v6, v3;
	_ =	sdelay $0x1  }
0xf7: {  	v1 =	vadd.f32 v2, v1;
	_ =	sdelay $0x1  }
0xf8: {  	s21 =	sshra.s32 s20, $0x2;
	[tilespmem:v4+s12+$0x0] =	vst.idx.msk $0xffff, v1  }
0xf9: {  	v1 =	vld [tilespmem:s21+$0x16620]  }
.Ltmp3:
0xfa: {  	v2 =	vld [tilespmem:s21+$0x16600];
	(pc) =	sbr.rel @p0 .LBB2_8-.Ltmp3, $4  }
0xfb: {  	v3 =	vld [tilespmem:s21+$0x6620]  }
0xfc: {  	v4 =	vld [tilespmem:s21+$0xE600]  }
0xfd: {  	v5 =	vld [tilespmem:s21+$0x6600]  }
0xfe: {  	s20 =	sadd.s32 $0x100, s20;
	v6 =	vld [tilespmem:s21+$0x6610]  }
0xff: {  	v7 =	vld [tilespmem:s21+$0xE610]  }
0x100: {  	v8 =	vld [tilespmem:s21+$0xE620]  }
0x101: {  	v9 =	vld [tilespmem:s21+$0x16610]  }
0x102: {  	v10 =	vld [tilespmem:s21+$0x6630]  }
0x103: {  	v11 =	vld [tilespmem:s21+$0xE630]  }
0x104: {  	v4 =	vmul.f32 v4, v5;
	v5 =	vmul.f32 v7, v6  }
0x105: {  	v3 =	vmul.f32 v8, v3;
	v6 =	vld [tilespmem:s21+$0x16630]  }
0x106: {  	v2 =	vmul.f32 v2, v4;
	v4 =	vmul.f32 v9, v5;
	_ =	sdelay $0x1  }
0x107: {  	s19 =	sadd.s32 $0x1, s19;
	v1 =	vmul.f32 v1, v3;
	v3 =	vmul.f32 v11, v10;
	v2 =	vadd.f32 v4, v2  }
0x108: {  	v4 =	vor.u32 s19, v0  }
0x109: {  	v1 =	vadd.f32 v1, v2;
	v2 =	vmul.f32 v6, v3;
	_ =	sdelay $0x1  }
0x10a: {  	v1 =	vadd.f32 v2, v1;
	_ =	sdelay $0x1  }
0x10b: {  	[tilespmem:v4+s12+$0x0] =	vst.idx.msk $0xffff, v1  }
0x10c: {  	v1 =	vld [tilespmem:s18+$0x18600]  }
0x10d: {  	v2 =	vld [tilespmem:s18+$0x18800];
	_ =	sdelay $0x1  }
0x10e: {  	v3 =	vld [tilespmem:s18+$0x18A00];
	_ =	sdelay $0x1  }
0x10f: {  	v4 =	vld [tilespmem:s18+$0x18C00]  }
0x110: {  	v1 =	vadd.f32 v2, v1  }
0x111: {  	v2 =	vld [tilespmem:s18+$0x18E00]  }
0x112: {  	v1 =	vadd.f32 v3, v1  }
0x113: {  	v3 =	vld [tilespmem:s18+$0x19000]  }
0x114: {  	v1 =	vadd.f32 v4, v1  }
0x115: {  	v4 =	vld [tilespmem:s18+$0x19200]  }
0x116: {  	v1 =	vadd.f32 v2, v1  }
0x117: {  	v2 =	vld [tilespmem:s18+$0x19400]  }
0x118: {  	s19 =	simm.s32 $0x10;
	v5 =	vld [tilespmem:s18+$0x19600];
	v1 =	vadd.f32 v3, v1  }
0x119: {  	v6 =	vld [tilespmem:s19+$0x18600]  }
0x11a: {  	v3 =	vld [tilespmem:s18+$0x19800];
	v1 =	vadd.f32 v4, v1  }
0x11b: {  	v4 =	vld [tilespmem:s19+$0x18800]  }
0x11c: {  	v7 =	vld [tilespmem:s19+$0x18A00];
	v1 =	vadd.f32 v2, v1  }
0x11d: {  	v2 =	vld [tilespmem:s18+$0x19A00]  }
0x11e: {  	v8 =	vld [tilespmem:s19+$0x18C00];
	v1 =	vadd.f32 v5, v1  }
0x11f: {  	v5 =	vld [tilespmem:s18+$0x19C00]  }
0x120: {  	v4 =	vadd.f32 v4, v6;
	v6 =	vld [tilespmem:s19+$0x18E00];
	v1 =	vadd.f32 v3, v1  }
0x121: {  	v3 =	vld [tilespmem:s18+$0x19E00]  }
0x122: {  	v4 =	vadd.f32 v7, v4;
	v7 =	vld [tilespmem:s19+$0x19000];
	v1 =	vadd.f32 v2, v1  }
0x123: {  	v2 =	vld [tilespmem:s18+$0x1A000]  }
0x124: {  	v62 =	vld [tilespmem:s19+$0x19200];
	v4 =	vadd.f32 v8, v4;
	v1 =	vadd.f32 v5, v1  }
0x125: {  	v8 =	vld [tilespmem:s18+$0x1A200]  }
0x126: {  	v5 =	vadd.f32 v6, v4;
	v4 =	vld [tilespmem:s19+$0x19400];
	v6 =	vadd.f32 v3, v1  }
0x127: {  	v3 =	vld [tilespmem:s18+$0x1A400]  }
0x128: {  	v1 =	vld [tilespmem:s19+$0x19800];
	v7 =	vadd.f32 v7, v5;
	v63 =	vadd.f32 v2, v6  }
0x129: {  	s20 =	simm.s32 $0x20;
	v5 =	vld [tilespmem:s19+$0x19600]  }
0x12a: {  	s21 =	simm.s32 $0xC0;
	v2 =	vld [tilespmem:s20+$0x18600];
	v6 =	vadd.f32 v62, v7;
	v7 =	vadd.f32 v8, v63  }
.LBB2_10:
0x12b: {  	p0 =	sne.s32 s21, $0x7C0;
	v8 =	vld [tilespmem:s20+$0x18800]  }
0x12c: {  	v4 =	vadd.f32 v4, v6;
	v6 =	vld [tilespmem:s19+$0x19A00];
	v3 =	vadd.f32 v3, v7  }
0x12d: {  	v7 =	vld [tilespmem:s20+$0x18A00]  }
0x12e: {  	v4 =	vadd.f32 v5, v4;
	v5 =	vld [tilespmem:s19+$0x19C00];
	[tilespmem:s18+$0x1A600] =	vst v3;
	s18 =	smov.u32 s19;
	s19 =	smov.u32 s20  }
0x12f: {  	v3 =	vld [tilespmem:s19+$0x18C00]  }
0x130: {  	v2 =	vadd.f32 v8, v2;
	v1 =	vadd.f32 v1, v4;
	v4 =	vld [tilespmem:s18+$0x19E00]  }
0x131: {  	v8 =	vld [tilespmem:s19+$0x18E00]  }
0x132: {  	v2 =	vadd.f32 v7, v2;
	v1 =	vadd.f32 v6, v1;
	v6 =	vld [tilespmem:s18+$0x1A000]  }
0x133: {  	v7 =	vld [tilespmem:s19+$0x19000]  }
0x134: {  	v2 =	vadd.f32 v3, v2;
	v1 =	vadd.f32 v5, v1;
	v9 =	vld [tilespmem:s18+$0x1A200]  }
0x135: {  	v10 =	vld [tilespmem:s19+$0x19200]  }
.Ltmp4:
0x136: {  	v2 =	vadd.f32 v8, v2;
	v5 =	vadd.f32 v4, v1;
	v3 =	vld [tilespmem:s18+$0x1A400];
	(pc) =	sbr.rel @p0 .LBB2_10-.Ltmp4, $4  }
0x137: {  	v4 =	vld [tilespmem:s19+$0x19400]  }
0x138: {  	v7 =	vadd.f32 v7, v2;
	v1 =	vld [tilespmem:s19+$0x19800];
	v8 =	vadd.f32 v6, v5  }
0x139: {  	s20 =	sshra.s32 s21, $0x2;
	v5 =	vld [tilespmem:s19+$0x19600]  }
0x13a: {  	s21 =	sadd.s32 $0x40, s21;
	v2 =	vld [tilespmem:s20+$0x18600];
	v6 =	vadd.f32 v10, v7;
	v7 =	vadd.f32 v9, v8  }
0x13b: {  	v8 =	vld [tilespmem:s20+$0x18800]  }
0x13c: {  	v9 =	vld [tilespmem:s19+$0x19A00];
	v3 =	vadd.f32 v3, v7  }
0x13d: {  	v52 =	vld [tilespmem:s20+$0x18A00]  }
0x13e: {  	v10 =	vld [tilespmem:s19+$0x19C00];
	v4 =	vadd.f32 v4, v6;
	[tilespmem:s18+$0x1A600] =	vst v3  }
0x13f: {  	v3 =	vld [tilespmem:s20+$0x18C00]  }
0x140: {  	v4 =	vadd.f32 v5, v4;
	v2 =	vadd.f32 v8, v2  }
0x141: {  	v53 =	vld [tilespmem:s20+$0x18E00]  }
0x142: {  	v54 =	vld [tilespmem:s19+$0x19E00];
	v1 =	vadd.f32 v1, v4;
	v2 =	vadd.f32 v52, v2  }
0x143: {  	v55 =	vld [tilespmem:s20+$0x19000]  }
0x144: {  	v56 =	vld [tilespmem:s19+$0x1A000];
	v1 =	vadd.f32 v9, v1;
	v2 =	vadd.f32 v3, v2  }
0x145: {  	v3 =	vld [tilespmem:s20+$0x19200]  }
0x146: {  	v57 =	vld [tilespmem:s19+$0x1A200];
	v1 =	vadd.f32 v10, v1;
	v2 =	vadd.f32 v53, v2  }
0x147: {  	v58 =	vld [tilespmem:s20+$0x19400]  }
0x148: {  	v59 =	vld [tilespmem:s19+$0x1A400];
	v1 =	vadd.f32 v54, v1;
	v2 =	vadd.f32 v55, v2  }
0x149: {  	v60 =	vld [tilespmem:s20+$0x19600]  }
0x14a: {  	v1 =	vadd.f32 v56, v1;
	v2 =	vadd.f32 v3, v2  }
0x14b: {  	v3 =	vld [tilespmem:s20+$0x19800]  }
0x14c: {  	v1 =	vadd.f32 v57, v1;
	v2 =	vadd.f32 v58, v2  }
0x14d: {  	v61 =	vld [tilespmem:s20+$0x19A00]  }
0x14e: {  	v1 =	vadd.f32 v59, v1;
	v2 =	vadd.f32 v60, v2  }
0x14f: {  	v62 =	vld [tilespmem:s20+$0x19C00]  }
0x150: {  	[tilespmem:s19+$0x1A600] =	vst v1;
	v1 =	vadd.f32 v3, v2  }
0x151: {  	v2 =	vld [tilespmem:s20+$0x19E00]  }
0x152: {  	v1 =	vadd.f32 v61, v1  }
0x153: {  	v3 =	vld [tilespmem:s20+$0x1A000]  }
0x154: {  	v1 =	vadd.f32 v62, v1  }
0x155: {  	v63 =	vld [tilespmem:s20+$0x1A200]  }
0x156: {  	v1 =	vadd.f32 v2, v1  }
0x157: {  	v2 =	vld [tilespmem:s20+$0x1A400]  }
0x158: {  	v1 =	vadd.f32 v3, v1;
	_ =	sdelay $0x1  }
0x159: {  	v1 =	vadd.f32 v63, v1;
	_ =	sdelay $0x1  }
0x15a: {  	s17 =	sadd.s32 $0x1, s17;
	v1 =	vadd.f32 v2, v1  }
0x15b: {  	p0 =	sne.s32 s17, s8  }
.Ltmp5:
0x15c: {  	[tilespmem:s20+$0x1A600] =	vst v1;
	(pc) =	sbr.rel @p0 .LBB2_1-.Ltmp5, $4  }
0x15d: {  	[hbm4b:s7+s2] =	stream.linear.scatter [tilespmem:s16], [sflag:$0x5], $0x200, $0x38;
	[tilespmem:$0x1A800] =	vst v63  }
0x15e: {  	_ =	swait.ge [sflag:s9], $0x200  }
0x15f: {  	[sflag:s9] =	ssyncset.done $0x0  }
0x160: {  	[sflag:s9] =	ssyncadd.s32 $0xFFFFFE00  }
0x161: {  	_ =	sfence.sel $0x180000  }
0x162: {  	[bflag:$0x0] =	sbarrier.arrive $0xFFFF  }
0x163: {  	_ =	strace $0x90000047  }
0x164: {  	s0 =	stileid.u32;
	[bflag:$0x2] =	sbarrier.arrive $0xFFFF  }
0x165: {  	p0 =	sne.s32 s0, $0x0;
	s0 =	rddreg [dreg:$0x1]  }
0x166: {  	s0 =	sadd.s32 @!p0 $0x100000, s0  }
0x167: {  	[sflag:s0] =	ssyncadd.tile.s32 @!p0 $0x1;
	_ =	shalt  }
.Lfunc_end2:
_tile_overlayer_lowered:
.L_overlay_start_2:
0x168: {  	(tag) =	ssettag $0x2  }
0x169: {  	s0 =	rddreg [dreg:$0x0];
	s2 =	stileid.u32  }
0x16a: {  	s1 =	rddreg [dreg:$0x1];
	p0 =	sne.s32 s2, $0x0  }
0x16b: {  	s3 =	rddreg [dreg:$0x2];
	[bflag:$0x3] =	sbarrier.arrive $0xFFFF;
	s2 =	simm.s32 @!p0 $0x1C05  }
0x16c: {  	[timem:s3], [sflag:s2] =	dma.local @!p0 [hbm:s0], s1  }
0x16d: {  	s0 =	simm.s32 @!p0 $0x5  }
0x16e: {  	_ =	swait.ge @!p0 [sflag:s0], s1  }
0x16f: {  	s1 =	ssub.s32 @!p0 $0x0, s1;
	[sflag:s0] =	ssyncset.done @!p0 $0x0  }
0x170: {  	[sflag:s0] =	ssyncadd.s32 @!p0 s1  }
0x171: {  	[bflag:$0x3] =	sbarrier.arrive $0xFFFF  }
0x172: {  	_ =	shalt  }

</sc_bundles>
